<compile_context>
chip_gen: v7x
topology: tpu7x:2x2x1
jax: 0.10.2.dev20260603
libtpu: 0.0.44.dev20260713+nightly
codegen_flags: <defaults>
</compile_context>

<pallas_src>
import functools

import jax
import jax.numpy as jnp
from jax import lax
from jax.experimental import pallas as pl
from jax.experimental.pallas import tpu as pltpu
from jax.experimental.pallas import tpu_sc as plsc

_B, _T, _D, _P = 16, 4096, 256, 3
_L = 16
_NC = 2
_DH = _D // 2
_NV = _DH // _L
_CH = 256
_S = 1536
_BT = 1536
_OP = 8

_mesh = plsc.VectorSubcoreMesh(core_axis_name="c", subcore_axis_name="s")




def _row_loop(buf, lo, hi, acc):

    @plsc.parallel_loop(lo, hi, carry=acc, unroll=4)
    def body(t, a):
        return tuple(
            jnp.maximum(a[j], buf[t, pl.ds(j * _L, _L)]) for j in range(_NV)
        )

    return body


def _compute_chunk(buf, t0, p0, p1, p2, accs):
    r0 = jnp.clip(p0 - t0, 0, _CH)
    r1 = jnp.clip(p1 - t0, 0, _CH)
    r2 = jnp.clip(p2 - t0, 0, _CH)
    a0, a1, a2 = accs
    a0 = _row_loop(buf, 0, r0, a0)
    a1 = _row_loop(buf, r0, r1, a1)
    a2 = _row_loop(buf, r1, r2, a2)
    return (a0, a1, a2)


@functools.partial(
    pl.kernel,
    out_type=jax.ShapeDtypeStruct((_B, _P, _D), jnp.float32),
    mesh=_mesh,
    scratch_types=[
        pltpu.VMEM((_L,), jnp.int32),
        pltpu.VMEM((_CH, _DH), jnp.float32),
        pltpu.VMEM((_CH, _DH), jnp.float32),
        pltpu.VMEM((_P, _DH), jnp.float32),
        pltpu.SemaphoreType.DMA,
        pltpu.SemaphoreType.DMA,
    ],
)
def _sc_pool(x_hbm, pos_hbm, out_hbm, pos_v, buf0, buf1, stage_v, sem0, sem1):
    c = lax.axis_index("c")
    s = lax.axis_index("s")
    wid = s * _NC + c
    b = wid // 2
    hoff = (wid % 2) * _DH

    pltpu.sync_copy(pos_hbm.at[b], pos_v)
    pvec = pos_v[...]
    p0 = pvec[0]
    p1 = pvec[1]
    p2 = pvec[2]

    neg = jnp.full((_L,), -jnp.inf, jnp.float32)
    acc_init = (tuple(neg for _ in range(_NV)),) * _P

    base = _S // _CH
    nch = jnp.maximum((p2 + _CH - 1) // _CH - base, 0)
    npair = (nch + 1) // 2

    def src(ci):
        return x_hbm.at[b, pl.ds((base + ci) * _CH, _CH), pl.ds(hoff, _DH)]

    @pl.when(nch > 0)
    def _():
        pltpu.async_copy(src(0), buf0, sem0)

    def body(k, accs):
        ci0 = 2 * k
        ci1 = ci0 + 1

        pltpu.make_async_copy(src(ci0), buf0, sem0).wait()

        @pl.when(ci1 < nch)
        def _():
            pltpu.async_copy(src(ci1), buf1, sem1)

        accs = _compute_chunk(buf0, (base + ci0) * _CH, p0, p1, p2, accs)

        @pl.when(ci0 + 2 < nch)
        def _():
            pltpu.async_copy(src(ci0 + 2), buf0, sem0)

        @pl.when(ci1 < nch)
        def _():
            pltpu.make_async_copy(src(ci1), buf1, sem1).wait()

        accs = _compute_chunk(buf1, (base + ci1) * _CH, p0, p1, p2, accs)
        return accs

    accs = lax.fori_loop(0, npair, body, acc_init)

    for p in range(_P):
        for j in range(_NV):
            stage_v[p, pl.ds(j * _L, _L)] = accs[p][j]
    pltpu.sync_copy(stage_v, out_hbm.at[b, :, pl.ds(hoff, _DH)])




def _tc_body(pos_ref, x_ref, o_ref):
    b = pl.program_id(0)
    i = pl.program_id(1)

    @pl.when(i == 0)
    def _init():
        o_ref[...] = jnp.full(o_ref.shape, -jnp.inf, o_ref.dtype)

    p0 = pos_ref[b, 0]
    p1 = pos_ref[b, 1]
    p2 = pos_ref[b, 2]
    t = i * _BT + jax.lax.broadcasted_iota(jnp.int32, (_BT, 1), 0)
    x = x_ref[0]
    seg = (
        (t >= p0).astype(jnp.int32)
        + (t >= p1).astype(jnp.int32)
        + (t >= p2).astype(jnp.int32)
    )
    rows = []
    for p in range(_P):
        rows.append(
            jnp.max(jnp.where(seg == p, x, -jnp.inf), axis=0, keepdims=True)
        )
    new = jnp.concatenate(rows, axis=0)
    o_ref[0, :_P, :] = jnp.maximum(o_ref[0, :_P, :], new)


def _tc_head(inputs, positions):
    grid_spec = pltpu.PrefetchScalarGridSpec(
        num_scalar_prefetch=1,
        grid=(_B, _S // _BT),
        in_specs=[pl.BlockSpec((1, _BT, _D), lambda b, i, pos: (b, i, 0))],
        out_specs=pl.BlockSpec((1, _OP, _D), lambda b, i, pos: (b, 0, 0)),
    )
    return pl.pallas_call(
        _tc_body,
        grid_spec=grid_spec,
        out_shape=jax.ShapeDtypeStruct((_B, _OP, _D), jnp.float32),
    )(positions, inputs)




def _combine_body(tc_ref, sc_ref, o_ref):
    o_ref[...] = jnp.maximum(tc_ref[:, :_P, :], sc_ref[...])


def _combine(tc_part, sc_part):
    return pl.pallas_call(
        _combine_body,
        out_shape=jax.ShapeDtypeStruct((_B, _P, _D), jnp.float32),
    )(tc_part, sc_part)


def kernel(inputs, positions):
    pos_pad = jnp.pad(positions, ((0, 0), (0, _L - _P)))
    sc_part = _sc_pool(inputs, pos_pad)
    tc_part = _tc_head(inputs, positions)
    return _combine(tc_part, sc_part)

# --- scband reference (transcript-rebuilt; emitter-appended) ---
"""Pipeline reference for scband-piecewise-pooling1-d-38354057953797 (READ-ONLY COPY).

The authoritative reference and input builder live on the scoring server;
editing this copy changes nothing except your own understanding.
"""

import jax, jax.numpy as jnp
import numpy as np

B, T, D, P = 16, 4096, 256, 3


def setup_inputs(seed: int = 0) -> dict:
    key = jax.random.key(seed)
    k1, k2 = jax.random.split(key)
    inputs = jax.random.normal(k1, (B, T, D), dtype=jnp.float32)
    # sorted random cut positions, made strictly increasing and >= 1 so that
    # every piece inputs[pos[p-1]:pos[p]] (and inputs[:pos[0]]) is non-empty,
    # matching a well-formed piecewise-pooling input.
    base = jnp.sort(jax.random.randint(k2, (B, P), 0, T - P), axis=-1)
    positions = (base + jnp.arange(1, P + 1, dtype=base.dtype)).astype(jnp.int32)
    return {"inputs": inputs, "positions": positions}


def reference(inputs, positions):
    # Faithful translation of PiecewisePooling1D(pool_type='max'):
    # for each sample b and piece p:
    #   piece = inputs[b, :pos[b,0]]            if p == 0
    #   piece = inputs[b, pos[b,p-1]:pos[b,p]]  otherwise
    #   out[b, p] = max(piece, axis=0)
    # Implemented as a per-sample segment-max: timestep t belongs to piece
    # searchsorted(pos, t, side='right'); t >= pos[-1] falls into a discarded
    # overflow segment, exactly mirroring the slicing semantics above.
    Tlen = inputs.shape[1]
    Pn = positions.shape[1]

    def per_sample(x, pos):
        t = jnp.arange(Tlen)
        seg = jnp.searchsorted(pos, t, side='right')
        pooled = jax.ops.segment_max(x, seg, num_segments=Pn + 1)
        return pooled[:Pn]

    return jax.vmap(per_sample)(inputs, positions)

if __name__ == "__main__":
    import jax
    _d = setup_inputs()
    print(jax.jit(kernel)(*tuple(_d.values())))

</pallas_src>

<mosaic_0001>
#map = affine_map<(d0, d1) -> (0, 0, 0)>
#map1 = affine_map<(d0, d1) -> (0, 0)>
module attributes {stable_mosaic.version = 14 : i64} {
  func.func @_sc_pool(%arg0: i32, %arg1: i32, %arg2: memref<16x4096x256xf32, #tpu.memory_space<hbm>>, %arg3: memref<16x16xi32, #tpu.memory_space<hbm>>, %arg4: memref<16x3x256xf32, #tpu.memory_space<hbm>>, %arg5: memref<16xi32, #tpu.memory_space<vmem>>, %arg6: memref<256x128xf32, #tpu.memory_space<vmem>>, %arg7: memref<256x128xf32, #tpu.memory_space<vmem>>, %arg8: memref<3x128xf32, #tpu.memory_space<vmem>>, %arg9: memref<!tpu.dma_semaphore, #tpu.memory_space<semaphore_mem>>, %arg10: memref<!tpu.dma_semaphore, #tpu.memory_space<semaphore_mem>>) attributes {dimension_semantics = [#tpu.dimension_semantics<core_parallel>, #tpu.dimension_semantics<subcore_parallel>], iteration_bounds = array<i64: 2, 16>, scalar_prefetch = 0 : i64, scratch_operands = 6 : i64, tpu.core_type = #tpu.core_type<sc_vector_subcore>, window_params = [{transform_indices = #map}, {transform_indices = #map1}, {transform_indices = #map}]} {
    %mul3A = arith.constant 2 : i32
    %mul3A_0 = arith.muli %arg1, %mul3A : i32
    %add3A = arith.addi %mul3A_0, %arg0 : i32
    %jit3A = arith.constant 2 : i32
    %div3A = arith.divsi %add3A, %jit3A : i32
    %sign3A = arith.constant 0 : i32
    %sign3A_1 = arith.cmpi sgt, %add3A, %sign3A : i32
    %sign3A_2 = arith.extui %sign3A_1 : i1 to i32
    %sign3A_3 = arith.constant 0 : i32
    %sign3A_4 = arith.cmpi slt, %add3A, %sign3A_3 : i32
    %sign3A_5 = arith.extui %sign3A_4 : i1 to i32
    %sign3A_6 = arith.subi %sign3A_2, %sign3A_5 : i32
    %sign3A_7 = arith.constant 0 : i32
    %sign3A_8 = arith.cmpi sgt, %jit3A, %sign3A_7 : i32
    %sign3A_9 = arith.extui %sign3A_8 : i1 to i32
    %sign3A_10 = arith.constant 0 : i32
    %sign3A_11 = arith.cmpi slt, %jit3A, %sign3A_10 : i32
    %sign3A_12 = arith.extui %sign3A_11 : i1 to i32
    %sign3A_13 = arith.subi %sign3A_9, %sign3A_12 : i32
    %ne3A = arith.cmpi ne, %sign3A_6, %sign3A_13 : i32
    %rem3A = arith.remsi %add3A, %jit3A : i32
    %ne3A_14 = arith.constant 0 : i32
    %ne3A_15 = arith.cmpi ne, %rem3A, %ne3A_14 : i32
    %and3A = arith.andi %ne3A, %ne3A_15 : i1
    %sub3A = arith.constant 1 : i32
    %sub3A_16 = arith.subi %div3A, %sub3A : i32
    %select_n3A = arith.select %and3A, %sub3A_16, %div3A : i32
    %jit3A_17 = arith.constant 2 : i32
    %eq3A = arith.constant 0 : i32
    %eq3A_18 = arith.cmpi eq, %jit3A_17, %eq3A : i32
    %jit3A_19 = arith.constant 1 : i32
    %select_n3A_20 = arith.select %eq3A_18, %jit3A_19, %jit3A_17 : i32
    %rem3A_21 = arith.remsi %add3A, %select_n3A_20 : i32
    %ne3A_22 = arith.constant 0 : i32
    %ne3A_23 = arith.cmpi ne, %rem3A_21, %ne3A_22 : i32
    %lt3A = arith.constant 0 : i32
    %lt3A_24 = arith.cmpi slt, %rem3A_21, %lt3A : i32
    %lt3A_25 = arith.constant 0 : i32
    %lt3A_26 = arith.cmpi slt, %select_n3A_20, %lt3A_25 : i32
    %ne3A_27 = arith.xori %lt3A_24, %lt3A_26 : i1
    %and3A_28 = arith.andi %ne3A_27, %ne3A_23 : i1
    %add3A_29 = arith.addi %rem3A_21, %select_n3A_20 : i32
    %select_n3A_30 = arith.select %and3A_28, %add3A_29, %rem3A_21 : i32
    %mul3A_31 = arith.constant 128 : i32
    %mul3A_32 = arith.muli %select_n3A_30, %mul3A_31 : i32
    "tpu.region"() ({
      %run_scoped3A = tpu.sem_alloc : memref<!tpu.dma_semaphore, #tpu.memory_space<semaphore_mem>>
      %dma_start3A = arith.constant 0 : i32
      %dma_start3A_252 = tpu.memref_slice %arg3[%select_n3A, %dma_start3A] : memref<16x16xi32, #tpu.memory_space<hbm>> -> memref<1x16xi32, #tpu.memory_space<hbm>>
      %dma_start3A_253 = tpu.memref_squeeze %dma_start3A_252 : memref<1x16xi32, #tpu.memory_space<hbm>> -> memref<16xi32, #tpu.memory_space<hbm>>
      %dma_start3A_254 = arith.constant 0 : i32
      %dma_start3A_255 = tpu.memref_slice %arg3[%select_n3A, %dma_start3A_254] : memref<16x16xi32, #tpu.memory_space<hbm>> -> memref<1x16xi32, #tpu.memory_space<hbm>>
      %dma_start3A_256 = tpu.memref_squeeze %dma_start3A_255 : memref<1x16xi32, #tpu.memory_space<hbm>> -> memref<16xi32, #tpu.memory_space<hbm>>
      tpu.enqueue_dma source(%dma_start3A_256 : memref<16xi32, #tpu.memory_space<hbm>>) target(%arg5 : memref<16xi32, #tpu.memory_space<vmem>>) target_semaphore(%run_scoped3A : memref<!tpu.dma_semaphore, #tpu.memory_space<semaphore_mem>>)
      %dma_wait3A = arith.constant 0 : i32
      %dma_wait3A_257 = tpu.memref_slice %arg3[%select_n3A, %dma_wait3A] : memref<16x16xi32, #tpu.memory_space<hbm>> -> memref<1x16xi32, #tpu.memory_space<hbm>>
      %dma_wait3A_258 = tpu.memref_squeeze %dma_wait3A_257 : memref<1x16xi32, #tpu.memory_space<hbm>> -> memref<16xi32, #tpu.memory_space<hbm>>
      %dma_wait3A_259 = arith.constant 0 : i32
      %dma_wait3A_260 = tpu.memref_slice %arg3[%select_n3A, %dma_wait3A_259] : memref<16x16xi32, #tpu.memory_space<hbm>> -> memref<1x16xi32, #tpu.memory_space<hbm>>
      %dma_wait3A_261 = tpu.memref_squeeze %dma_wait3A_260 : memref<1x16xi32, #tpu.memory_space<hbm>> -> memref<16xi32, #tpu.memory_space<hbm>>
      tpu.wait_dma2 semaphore(%run_scoped3A : memref<!tpu.dma_semaphore, #tpu.memory_space<semaphore_mem>>) src(%dma_wait3A_261 : memref<16xi32, #tpu.memory_space<hbm>>) dst(%arg5 : memref<16xi32, #tpu.memory_space<vmem>>)
      tpu.yield
    }) : () -> ()
    %get3A = arith.constant 0 : index
    %get3A_33 = tpu.vector_load %arg5[%get3A] {strides = array<i32>} : memref<16xi32, #tpu.memory_space<vmem>>, vector<16xi32>,
    %get3A_34 = vector.shape_cast %get3A_33 : vector<16xi32> to vector<16xi32>
    %slice3A = vector.extract_strided_slice %get3A_34 {offsets = [0], sizes = [1], strides = [1]} : vector<16xi32> to vector<1xi32>
    %squeeze3A = vector.extract %slice3A[0] : i32 from vector<1xi32>
    %slice3A_35 = vector.extract_strided_slice %get3A_34 {offsets = [1], sizes = [1], strides = [1]} : vector<16xi32> to vector<1xi32>
    %squeeze3A_36 = vector.extract %slice3A_35[0] : i32 from vector<1xi32>
    %slice3A_37 = vector.extract_strided_slice %get3A_34 {offsets = [2], sizes = [1], strides = [1]} : vector<16xi32> to vector<1xi32>
    %squeeze3A_38 = vector.extract %slice3A_37[0] : i32 from vector<1xi32>
    %broadcast_in_dim3A = arith.constant 0xFF800000 : f32
    %broadcast_in_dim3A_39 = vector.broadcast %broadcast_in_dim3A : f32 to vector<16xf32>
    %add3A_40 = arith.constant 256 : i32
    %add3A_41 = arith.addi %squeeze3A_38, %add3A_40 : i32
    %sub3A_42 = arith.constant 1 : i32
    %sub3A_43 = arith.subi %add3A_41, %sub3A_42 : i32
    %jit3A_44 = arith.constant 256 : i32
    %div3A_45 = arith.divsi %sub3A_43, %jit3A_44 : i32
    %sign3A_46 = arith.constant 0 : i32
    %sign3A_47 = arith.cmpi sgt, %sub3A_43, %sign3A_46 : i32
    %sign3A_48 = arith.extui %sign3A_47 : i1 to i32
    %sign3A_49 = arith.constant 0 : i32
    %sign3A_50 = arith.cmpi slt, %sub3A_43, %sign3A_49 : i32
    %sign3A_51 = arith.extui %sign3A_50 : i1 to i32
    %sign3A_52 = arith.subi %sign3A_48, %sign3A_51 : i32
    %sign3A_53 = arith.constant 0 : i32
    %sign3A_54 = arith.cmpi sgt, %jit3A_44, %sign3A_53 : i32
    %sign3A_55 = arith.extui %sign3A_54 : i1 to i32
    %sign3A_56 = arith.constant 0 : i32
    %sign3A_57 = arith.cmpi slt, %jit3A_44, %sign3A_56 : i32
    %sign3A_58 = arith.extui %sign3A_57 : i1 to i32
    %sign3A_59 = arith.subi %sign3A_55, %sign3A_58 : i32
    %ne3A_60 = arith.cmpi ne, %sign3A_52, %sign3A_59 : i32
    %rem3A_61 = arith.remsi %sub3A_43, %jit3A_44 : i32
    %ne3A_62 = arith.constant 0 : i32
    %ne3A_63 = arith.cmpi ne, %rem3A_61, %ne3A_62 : i32
    %and3A_64 = arith.andi %ne3A_60, %ne3A_63 : i1
    %sub3A_65 = arith.constant 1 : i32
    %sub3A_66 = arith.subi %div3A_45, %sub3A_65 : i32
    %select_n3A_67 = arith.select %and3A_64, %sub3A_66, %div3A_45 : i32
    %sub3A_68 = arith.constant 6 : i32
    %sub3A_69 = arith.subi %select_n3A_67, %sub3A_68 : i32
    %max3A = arith.constant 0 : i32
    %max3A_70 = arith.maxsi %sub3A_69, %max3A : i32
    %add3A_71 = arith.constant 1 : i32
    %add3A_72 = arith.addi %max3A_70, %add3A_71 : i32
    %jit3A_73 = arith.constant 2 : i32
    %div3A_74 = arith.divsi %add3A_72, %jit3A_73 : i32
    %sign3A_75 = arith.constant 0 : i32
    %sign3A_76 = arith.cmpi sgt, %add3A_72, %sign3A_75 : i32
    %sign3A_77 = arith.extui %sign3A_76 : i1 to i32
    %sign3A_78 = arith.constant 0 : i32
    %sign3A_79 = arith.cmpi slt, %add3A_72, %sign3A_78 : i32
    %sign3A_80 = arith.extui %sign3A_79 : i1 to i32
    %sign3A_81 = arith.subi %sign3A_77, %sign3A_80 : i32
    %sign3A_82 = arith.constant 0 : i32
    %sign3A_83 = arith.cmpi sgt, %jit3A_73, %sign3A_82 : i32
    %sign3A_84 = arith.extui %sign3A_83 : i1 to i32
    %sign3A_85 = arith.constant 0 : i32
    %sign3A_86 = arith.cmpi slt, %jit3A_73, %sign3A_85 : i32
    %sign3A_87 = arith.extui %sign3A_86 : i1 to i32
    %sign3A_88 = arith.subi %sign3A_84, %sign3A_87 : i32
    %ne3A_89 = arith.cmpi ne, %sign3A_81, %sign3A_88 : i32
    %rem3A_90 = arith.remsi %add3A_72, %jit3A_73 : i32
    %ne3A_91 = arith.constant 0 : i32
    %ne3A_92 = arith.cmpi ne, %rem3A_90, %ne3A_91 : i32
    %and3A_93 = arith.andi %ne3A_89, %ne3A_92 : i1
    %sub3A_94 = arith.constant 1 : i32
    %sub3A_95 = arith.subi %div3A_74, %sub3A_94 : i32
    %select_n3A_96 = arith.select %and3A_93, %sub3A_95, %div3A_74 : i32
    %gt3A = arith.constant 0 : i32
    %gt3A_97 = arith.cmpi sgt, %max3A_70, %gt3A : i32
    %convert_element_type3A = arith.extui %gt3A_97 : i1 to i32
    %cond3A = arith.constant 0 : i32
    %cond3A_98 = arith.cmpi ne, %convert_element_type3A, %cond3A : i32
    scf.if %cond3A_98 {
      %dma_start3A = arith.constant 1536 : i32
      %dma_start3A_252 = tpu.memref_slice %arg2[%select_n3A, %dma_start3A, %mul3A_32] : memref<16x4096x256xf32, #tpu.memory_space<hbm>> -> memref<1x256x128xf32, #tpu.memory_space<hbm>>
      %dma_start3A_253 = tpu.memref_squeeze %dma_start3A_252 : memref<1x256x128xf32, #tpu.memory_space<hbm>> -> memref<256x128xf32, #tpu.memory_space<hbm>>
      %dma_start3A_254 = arith.constant 1536 : i32
      %dma_start3A_255 = tpu.memref_slice %arg2[%select_n3A, %dma_start3A_254, %mul3A_32] : memref<16x4096x256xf32, #tpu.memory_space<hbm>> -> memref<1x256x128xf32, #tpu.memory_space<hbm>>
      %dma_start3A_256 = tpu.memref_squeeze %dma_start3A_255 : memref<1x256x128xf32, #tpu.memory_space<hbm>> -> memref<256x128xf32, #tpu.memory_space<hbm>>
      tpu.enqueue_dma source(%dma_start3A_256 : memref<256x128xf32, #tpu.memory_space<hbm>>) target(%arg6 : memref<256x128xf32, #tpu.memory_space<vmem>>) target_semaphore(%arg9 : memref<!tpu.dma_semaphore, #tpu.memory_space<semaphore_mem>>)
    } else {
    }
    %while3A = arith.constant 0 : i32
    %while3A_99 = arith.subi %select_n3A_96, %while3A : i32
    %while3A_100 = arith.addi %while3A, %while3A_99 : i32
    %while3A_101 = arith.constant 1 : i32
    %while3A_102 = arith.divsi %while3A_99, %while3A_101 : i32
    %while3A_103 = arith.muli %while3A_102, %while3A_101 : i32
    %while3A_104 = arith.addi %while3A, %while3A_103 : i32
    %while3A_105 = arith.constant 1 : i32
    %while3A_106:24 = scf.for %while3A_252 = %while3A to %while3A_104 step %while3A_105 iter_args(%while3A_253 = %broadcast_in_dim3A_39, %while3A_254 = %broadcast_in_dim3A_39, %while3A_255 = %broadcast_in_dim3A_39, %while3A_256 = %broadcast_in_dim3A_39, %while3A_257 = %broadcast_in_dim3A_39, %while3A_258 = %broadcast_in_dim3A_39, %while3A_259 = %broadcast_in_dim3A_39, %while3A_260 = %broadcast_in_dim3A_39, %while3A_261 = %broadcast_in_dim3A_39, %while3A_262 = %broadcast_in_dim3A_39, %while3A_263 = %broadcast_in_dim3A_39, %while3A_264 = %broadcast_in_dim3A_39, %while3A_265 = %broadcast_in_dim3A_39, %while3A_266 = %broadcast_in_dim3A_39, %while3A_267 = %broadcast_in_dim3A_39, %while3A_268 = %broadcast_in_dim3A_39, %while3A_269 = %broadcast_in_dim3A_39, %while3A_270 = %broadcast_in_dim3A_39, %while3A_271 = %broadcast_in_dim3A_39, %while3A_272 = %broadcast_in_dim3A_39, %while3A_273 = %broadcast_in_dim3A_39, %while3A_274 = %broadcast_in_dim3A_39, %while3A_275 = %broadcast_in_dim3A_39, %while3A_276 = %broadcast_in_dim3A_39) -> (vector<16xf32>, vector<16xf32>, vector<16xf32>, vector<16xf32>, vector<16xf32>, vector<16xf32>, vector<16xf32>, vector<16xf32>, vector<16xf32>, vector<16xf32>, vector<16xf32>, vector<16xf32>, vector<16xf32>, vector<16xf32>, vector<16xf32>, vector<16xf32>, vector<16xf32>, vector<16xf32>, vector<16xf32>, vector<16xf32>, vector<16xf32>, vector<16xf32>, vector<16xf32>, vector<16xf32>)  : i32 {
      %mul3A_277 = arith.constant 2 : i32
      %mul3A_278 = arith.muli %mul3A_277, %while3A_252 : i32
      %add3A_279 = arith.constant 1 : i32
      %add3A_280 = arith.addi %mul3A_278, %add3A_279 : i32
      %add3A_281 = arith.constant 6 : i32
      %add3A_282 = arith.addi %add3A_281, %mul3A_278 : i32
      %mul3A_283 = arith.constant 256 : i32
      %mul3A_284 = arith.muli %add3A_282, %mul3A_283 : i32
      %dma_wait3A = tpu.memref_slice %arg2[%select_n3A, %mul3A_284, %mul3A_32] : memref<16x4096x256xf32, #tpu.memory_space<hbm>> -> memref<1x256x128xf32, #tpu.memory_space<hbm>>
      %dma_wait3A_285 = tpu.memref_squeeze %dma_wait3A : memref<1x256x128xf32, #tpu.memory_space<hbm>> -> memref<256x128xf32, #tpu.memory_space<hbm>>
      %dma_wait3A_286 = tpu.memref_slice %arg2[%select_n3A, %mul3A_284, %mul3A_32] : memref<16x4096x256xf32, #tpu.memory_space<hbm>> -> memref<1x256x128xf32, #tpu.memory_space<hbm>>
      %dma_wait3A_287 = tpu.memref_squeeze %dma_wait3A_286 : memref<1x256x128xf32, #tpu.memory_space<hbm>> -> memref<256x128xf32, #tpu.memory_space<hbm>>
      tpu.wait_dma2 semaphore(%arg9 : memref<!tpu.dma_semaphore, #tpu.memory_space<semaphore_mem>>) src(%dma_wait3A_287 : memref<256x128xf32, #tpu.memory_space<hbm>>) dst(%arg6 : memref<256x128xf32, #tpu.memory_space<vmem>>)
      %lt3A_288 = arith.cmpi slt, %add3A_280, %max3A_70 : i32
      %convert_element_type3A_289 = arith.extui %lt3A_288 : i1 to i32
      %cond3A_290 = arith.constant 0 : i32
      %cond3A_291 = arith.cmpi ne, %convert_element_type3A_289, %cond3A_290 : i32
      scf.if %cond3A_291 {
        %add3A_352 = arith.constant 6 : i32
        %add3A_353 = arith.addi %add3A_352, %add3A_280 : i32
        %mul3A_354 = arith.constant 256 : i32
        %mul3A_355 = arith.muli %add3A_353, %mul3A_354 : i32
        %dma_start3A = tpu.memref_slice %arg2[%select_n3A, %mul3A_355, %mul3A_32] : memref<16x4096x256xf32, #tpu.memory_space<hbm>> -> memref<1x256x128xf32, #tpu.memory_space<hbm>>
        %dma_start3A_356 = tpu.memref_squeeze %dma_start3A : memref<1x256x128xf32, #tpu.memory_space<hbm>> -> memref<256x128xf32, #tpu.memory_space<hbm>>
        %dma_start3A_357 = tpu.memref_slice %arg2[%select_n3A, %mul3A_355, %mul3A_32] : memref<16x4096x256xf32, #tpu.memory_space<hbm>> -> memref<1x256x128xf32, #tpu.memory_space<hbm>>
        %dma_start3A_358 = tpu.memref_squeeze %dma_start3A_357 : memref<1x256x128xf32, #tpu.memory_space<hbm>> -> memref<256x128xf32, #tpu.memory_space<hbm>>
        tpu.enqueue_dma source(%dma_start3A_358 : memref<256x128xf32, #tpu.memory_space<hbm>>) target(%arg7 : memref<256x128xf32, #tpu.memory_space<vmem>>) target_semaphore(%arg10 : memref<!tpu.dma_semaphore, #tpu.memory_space<semaphore_mem>>)
      } else {
      }
      %add3A_292 = arith.constant 6 : i32
      %add3A_293 = arith.addi %add3A_292, %mul3A_278 : i32
      %mul3A_294 = arith.constant 256 : i32
      %mul3A_295 = arith.muli %add3A_293, %mul3A_294 : i32
      %sub3A_296 = arith.subi %squeeze3A, %mul3A_295 : i32
      %jit3A_297 = arith.constant 0 : i32
      %jit3A_298 = arith.constant 256 : i32
      %max3A_299 = arith.maxsi %jit3A_297, %sub3A_296 : i32
      %min3A = arith.minsi %jit3A_298, %max3A_299 : i32
      %sub3A_300 = arith.subi %squeeze3A_36, %mul3A_295 : i32
      %jit3A_301 = arith.constant 0 : i32
      %jit3A_302 = arith.constant 256 : i32
      %max3A_303 = arith.maxsi %jit3A_301, %sub3A_300 : i32
      %min3A_304 = arith.minsi %jit3A_302, %max3A_303 : i32
      %sub3A_305 = arith.subi %squeeze3A_38, %mul3A_295 : i32
      %jit3A_306 = arith.constant 0 : i32
      %jit3A_307 = arith.constant 256 : i32
      %max3A_308 = arith.maxsi %jit3A_306, %sub3A_305 : i32
      %min3A_309 = arith.minsi %jit3A_307, %max3A_308 : i32
      %parallel_loop3A = arith.constant 0 : i32
      %parallel_loop3A_310 = arith.constant 1 : i32
      %parallel_loop3A_311:8 = scf.for %parallel_loop3A_352 = %parallel_loop3A to %min3A step %parallel_loop3A_310 iter_args(%parallel_loop3A_353 = %while3A_253, %parallel_loop3A_354 = %while3A_254, %parallel_loop3A_355 = %while3A_255, %parallel_loop3A_356 = %while3A_256, %parallel_loop3A_357 = %while3A_257, %parallel_loop3A_358 = %while3A_258, %parallel_loop3A_359 = %while3A_259, %parallel_loop3A_360 = %while3A_260) -> (vector<16xf32>, vector<16xf32>, vector<16xf32>, vector<16xf32>, vector<16xf32>, vector<16xf32>, vector<16xf32>, vector<16xf32>)  : i32 {
        %parallel_loop3A_361 = arith.index_cast %parallel_loop3A_352 : i32 to index
        %parallel_loop3A_362 = arith.constant 0 : index
        %parallel_loop3A_363 = tpu.vector_load %arg6[%parallel_loop3A_361, %parallel_loop3A_362] {strides = array<i32>} : memref<256x128xf32, #tpu.memory_space<vmem>>, vector<1x16xf32>,
        %parallel_loop3A_364 = vector.shape_cast %parallel_loop3A_363 : vector<1x16xf32> to vector<16xf32>
        %parallel_loop3A_365 = arith.maximumf %parallel_loop3A_353, %parallel_loop3A_364 : vector<16xf32>
        %parallel_loop3A_366 = arith.index_cast %parallel_loop3A_352 : i32 to index
        %parallel_loop3A_367 = arith.constant 16 : index
        %parallel_loop3A_368 = tpu.vector_load %arg6[%parallel_loop3A_366, %parallel_loop3A_367] {strides = array<i32>} : memref<256x128xf32, #tpu.memory_space<vmem>>, vector<1x16xf32>,
        %parallel_loop3A_369 = vector.shape_cast %parallel_loop3A_368 : vector<1x16xf32> to vector<16xf32>
        %parallel_loop3A_370 = arith.maximumf %parallel_loop3A_354, %parallel_loop3A_369 : vector<16xf32>
        %parallel_loop3A_371 = arith.index_cast %parallel_loop3A_352 : i32 to index
        %parallel_loop3A_372 = arith.constant 32 : index
        %parallel_loop3A_373 = tpu.vector_load %arg6[%parallel_loop3A_371, %parallel_loop3A_372] {strides = array<i32>} : memref<256x128xf32, #tpu.memory_space<vmem>>, vector<1x16xf32>,
        %parallel_loop3A_374 = vector.shape_cast %parallel_loop3A_373 : vector<1x16xf32> to vector<16xf32>
        %parallel_loop3A_375 = arith.maximumf %parallel_loop3A_355, %parallel_loop3A_374 : vector<16xf32>
        %parallel_loop3A_376 = arith.index_cast %parallel_loop3A_352 : i32 to index
        %parallel_loop3A_377 = arith.constant 48 : index
        %parallel_loop3A_378 = tpu.vector_load %arg6[%parallel_loop3A_376, %parallel_loop3A_377] {strides = array<i32>} : memref<256x128xf32, #tpu.memory_space<vmem>>, vector<1x16xf32>,
        %parallel_loop3A_379 = vector.shape_cast %parallel_loop3A_378 : vector<1x16xf32> to vector<16xf32>
        %parallel_loop3A_380 = arith.maximumf %parallel_loop3A_356, %parallel_loop3A_379 : vector<16xf32>
        %parallel_loop3A_381 = arith.index_cast %parallel_loop3A_352 : i32 to index
        %parallel_loop3A_382 = arith.constant 64 : index
        %parallel_loop3A_383 = tpu.vector_load %arg6[%parallel_loop3A_381, %parallel_loop3A_382] {strides = array<i32>} : memref<256x128xf32, #tpu.memory_space<vmem>>, vector<1x16xf32>,
        %parallel_loop3A_384 = vector.shape_cast %parallel_loop3A_383 : vector<1x16xf32> to vector<16xf32>
        %parallel_loop3A_385 = arith.maximumf %parallel_loop3A_357, %parallel_loop3A_384 : vector<16xf32>
        %parallel_loop3A_386 = arith.index_cast %parallel_loop3A_352 : i32 to index
        %parallel_loop3A_387 = arith.constant 80 : index
        %parallel_loop3A_388 = tpu.vector_load %arg6[%parallel_loop3A_386, %parallel_loop3A_387] {strides = array<i32>} : memref<256x128xf32, #tpu.memory_space<vmem>>, vector<1x16xf32>,
        %parallel_loop3A_389 = vector.shape_cast %parallel_loop3A_388 : vector<1x16xf32> to vector<16xf32>
        %parallel_loop3A_390 = arith.maximumf %parallel_loop3A_358, %parallel_loop3A_389 : vector<16xf32>
        %parallel_loop3A_391 = arith.index_cast %parallel_loop3A_352 : i32 to index
        %parallel_loop3A_392 = arith.constant 96 : index
        %parallel_loop3A_393 = tpu.vector_load %arg6[%parallel_loop3A_391, %parallel_loop3A_392] {strides = array<i32>} : memref<256x128xf32, #tpu.memory_space<vmem>>, vector<1x16xf32>,
        %parallel_loop3A_394 = vector.shape_cast %parallel_loop3A_393 : vector<1x16xf32> to vector<16xf32>
        %parallel_loop3A_395 = arith.maximumf %parallel_loop3A_359, %parallel_loop3A_394 : vector<16xf32>
        %parallel_loop3A_396 = arith.index_cast %parallel_loop3A_352 : i32 to index
        %parallel_loop3A_397 = arith.constant 112 : index
        %parallel_loop3A_398 = tpu.vector_load %arg6[%parallel_loop3A_396, %parallel_loop3A_397] {strides = array<i32>} : memref<256x128xf32, #tpu.memory_space<vmem>>, vector<1x16xf32>,
        %parallel_loop3A_399 = vector.shape_cast %parallel_loop3A_398 : vector<1x16xf32> to vector<16xf32>
        %parallel_loop3A_400 = arith.maximumf %parallel_loop3A_360, %parallel_loop3A_399 : vector<16xf32>
        scf.yield %parallel_loop3A_365, %parallel_loop3A_370, %parallel_loop3A_375, %parallel_loop3A_380, %parallel_loop3A_385, %parallel_loop3A_390, %parallel_loop3A_395, %parallel_loop3A_400 : vector<16xf32>, vector<16xf32>, vector<16xf32>, vector<16xf32>, vector<16xf32>, vector<16xf32>, vector<16xf32>, vector<16xf32>
      } {sc.loop_unroll_factor = 4 : i64, sc.parallel_access}
      %parallel_loop3A_312 = arith.constant 1 : i32
      %parallel_loop3A_313:8 = scf.for %parallel_loop3A_352 = %min3A to %min3A_304 step %parallel_loop3A_312 iter_args(%parallel_loop3A_353 = %while3A_261, %parallel_loop3A_354 = %while3A_262, %parallel_loop3A_355 = %while3A_263, %parallel_loop3A_356 = %while3A_264, %parallel_loop3A_357 = %while3A_265, %parallel_loop3A_358 = %while3A_266, %parallel_loop3A_359 = %while3A_267, %parallel_loop3A_360 = %while3A_268) -> (vector<16xf32>, vector<16xf32>, vector<16xf32>, vector<16xf32>, vector<16xf32>, vector<16xf32>, vector<16xf32>, vector<16xf32>)  : i32 {
        %parallel_loop3A_361 = arith.index_cast %parallel_loop3A_352 : i32 to index
        %parallel_loop3A_362 = arith.constant 0 : index
        %parallel_loop3A_363 = tpu.vector_load %arg6[%parallel_loop3A_361, %parallel_loop3A_362] {strides = array<i32>} : memref<256x128xf32, #tpu.memory_space<vmem>>, vector<1x16xf32>,
        %parallel_loop3A_364 = vector.shape_cast %parallel_loop3A_363 : vector<1x16xf32> to vector<16xf32>
        %parallel_loop3A_365 = arith.maximumf %parallel_loop3A_353, %parallel_loop3A_364 : vector<16xf32>
        %parallel_loop3A_366 = arith.index_cast %parallel_loop3A_352 : i32 to index
        %parallel_loop3A_367 = arith.constant 16 : index
        %parallel_loop3A_368 = tpu.vector_load %arg6[%parallel_loop3A_366, %parallel_loop3A_367] {strides = array<i32>} : memref<256x128xf32, #tpu.memory_space<vmem>>, vector<1x16xf32>,
        %parallel_loop3A_369 = vector.shape_cast %parallel_loop3A_368 : vector<1x16xf32> to vector<16xf32>
        %parallel_loop3A_370 = arith.maximumf %parallel_loop3A_354, %parallel_loop3A_369 : vector<16xf32>
        %parallel_loop3A_371 = arith.index_cast %parallel_loop3A_352 : i32 to index
        %parallel_loop3A_372 = arith.constant 32 : index
        %parallel_loop3A_373 = tpu.vector_load %arg6[%parallel_loop3A_371, %parallel_loop3A_372] {strides = array<i32>} : memref<256x128xf32, #tpu.memory_space<vmem>>, vector<1x16xf32>,
        %parallel_loop3A_374 = vector.shape_cast %parallel_loop3A_373 : vector<1x16xf32> to vector<16xf32>
        %parallel_loop3A_375 = arith.maximumf %parallel_loop3A_355, %parallel_loop3A_374 : vector<16xf32>
        %parallel_loop3A_376 = arith.index_cast %parallel_loop3A_352 : i32 to index
        %parallel_loop3A_377 = arith.constant 48 : index
        %parallel_loop3A_378 = tpu.vector_load %arg6[%parallel_loop3A_376, %parallel_loop3A_377] {strides = array<i32>} : memref<256x128xf32, #tpu.memory_space<vmem>>, vector<1x16xf32>,
        %parallel_loop3A_379 = vector.shape_cast %parallel_loop3A_378 : vector<1x16xf32> to vector<16xf32>
        %parallel_loop3A_380 = arith.maximumf %parallel_loop3A_356, %parallel_loop3A_379 : vector<16xf32>
        %parallel_loop3A_381 = arith.index_cast %parallel_loop3A_352 : i32 to index
        %parallel_loop3A_382 = arith.constant 64 : index
        %parallel_loop3A_383 = tpu.vector_load %arg6[%parallel_loop3A_381, %parallel_loop3A_382] {strides = array<i32>} : memref<256x128xf32, #tpu.memory_space<vmem>>, vector<1x16xf32>,
        %parallel_loop3A_384 = vector.shape_cast %parallel_loop3A_383 : vector<1x16xf32> to vector<16xf32>
        %parallel_loop3A_385 = arith.maximumf %parallel_loop3A_357, %parallel_loop3A_384 : vector<16xf32>
        %parallel_loop3A_386 = arith.index_cast %parallel_loop3A_352 : i32 to index
        %parallel_loop3A_387 = arith.constant 80 : index
        %parallel_loop3A_388 = tpu.vector_load %arg6[%parallel_loop3A_386, %parallel_loop3A_387] {strides = array<i32>} : memref<256x128xf32, #tpu.memory_space<vmem>>, vector<1x16xf32>,
        %parallel_loop3A_389 = vector.shape_cast %parallel_loop3A_388 : vector<1x16xf32> to vector<16xf32>
        %parallel_loop3A_390 = arith.maximumf %parallel_loop3A_358, %parallel_loop3A_389 : vector<16xf32>
        %parallel_loop3A_391 = arith.index_cast %parallel_loop3A_352 : i32 to index
        %parallel_loop3A_392 = arith.constant 96 : index
        %parallel_loop3A_393 = tpu.vector_load %arg6[%parallel_loop3A_391, %parallel_loop3A_392] {strides = array<i32>} : memref<256x128xf32, #tpu.memory_space<vmem>>, vector<1x16xf32>,
        %parallel_loop3A_394 = vector.shape_cast %parallel_loop3A_393 : vector<1x16xf32> to vector<16xf32>
        %parallel_loop3A_395 = arith.maximumf %parallel_loop3A_359, %parallel_loop3A_394 : vector<16xf32>
        %parallel_loop3A_396 = arith.index_cast %parallel_loop3A_352 : i32 to index
        %parallel_loop3A_397 = arith.constant 112 : index
        %parallel_loop3A_398 = tpu.vector_load %arg6[%parallel_loop3A_396, %parallel_loop3A_397] {strides = array<i32>} : memref<256x128xf32, #tpu.memory_space<vmem>>, vector<1x16xf32>,
        %parallel_loop3A_399 = vector.shape_cast %parallel_loop3A_398 : vector<1x16xf32> to vector<16xf32>
        %parallel_loop3A_400 = arith.maximumf %parallel_loop3A_360, %parallel_loop3A_399 : vector<16xf32>
        scf.yield %parallel_loop3A_365, %parallel_loop3A_370, %parallel_loop3A_375, %parallel_loop3A_380, %parallel_loop3A_385, %parallel_loop3A_390, %parallel_loop3A_395, %parallel_loop3A_400 : vector<16xf32>, vector<16xf32>, vector<16xf32>, vector<16xf32>, vector<16xf32>, vector<16xf32>, vector<16xf32>, vector<16xf32>
      } {sc.loop_unroll_factor = 4 : i64, sc.parallel_access}
      %parallel_loop3A_314 = arith.constant 1 : i32
      %parallel_loop3A_315:8 = scf.for %parallel_loop3A_352 = %min3A_304 to %min3A_309 step %parallel_loop3A_314 iter_args(%parallel_loop3A_353 = %while3A_269, %parallel_loop3A_354 = %while3A_270, %parallel_loop3A_355 = %while3A_271, %parallel_loop3A_356 = %while3A_272, %parallel_loop3A_357 = %while3A_273, %parallel_loop3A_358 = %while3A_274, %parallel_loop3A_359 = %while3A_275, %parallel_loop3A_360 = %while3A_276) -> (vector<16xf32>, vector<16xf32>, vector<16xf32>, vector<16xf32>, vector<16xf32>, vector<16xf32>, vector<16xf32>, vector<16xf32>)  : i32 {
        %parallel_loop3A_361 = arith.index_cast %parallel_loop3A_352 : i32 to index
        %parallel_loop3A_362 = arith.constant 0 : index
        %parallel_loop3A_363 = tpu.vector_load %arg6[%parallel_loop3A_361, %parallel_loop3A_362] {strides = array<i32>} : memref<256x128xf32, #tpu.memory_space<vmem>>, vector<1x16xf32>,
        %parallel_loop3A_364 = vector.shape_cast %parallel_loop3A_363 : vector<1x16xf32> to vector<16xf32>
        %parallel_loop3A_365 = arith.maximumf %parallel_loop3A_353, %parallel_loop3A_364 : vector<16xf32>
        %parallel_loop3A_366 = arith.index_cast %parallel_loop3A_352 : i32 to index
        %parallel_loop3A_367 = arith.constant 16 : index
        %parallel_loop3A_368 = tpu.vector_load %arg6[%parallel_loop3A_366, %parallel_loop3A_367] {strides = array<i32>} : memref<256x128xf32, #tpu.memory_space<vmem>>, vector<1x16xf32>,
        %parallel_loop3A_369 = vector.shape_cast %parallel_loop3A_368 : vector<1x16xf32> to vector<16xf32>
        %parallel_loop3A_370 = arith.maximumf %parallel_loop3A_354, %parallel_loop3A_369 : vector<16xf32>
        %parallel_loop3A_371 = arith.index_cast %parallel_loop3A_352 : i32 to index
        %parallel_loop3A_372 = arith.constant 32 : index
        %parallel_loop3A_373 = tpu.vector_load %arg6[%parallel_loop3A_371, %parallel_loop3A_372] {strides = array<i32>} : memref<256x128xf32, #tpu.memory_space<vmem>>, vector<1x16xf32>,
        %parallel_loop3A_374 = vector.shape_cast %parallel_loop3A_373 : vector<1x16xf32> to vector<16xf32>
        %parallel_loop3A_375 = arith.maximumf %parallel_loop3A_355, %parallel_loop3A_374 : vector<16xf32>
        %parallel_loop3A_376 = arith.index_cast %parallel_loop3A_352 : i32 to index
        %parallel_loop3A_377 = arith.constant 48 : index
        %parallel_loop3A_378 = tpu.vector_load %arg6[%parallel_loop3A_376, %parallel_loop3A_377] {strides = array<i32>} : memref<256x128xf32, #tpu.memory_space<vmem>>, vector<1x16xf32>,
        %parallel_loop3A_379 = vector.shape_cast %parallel_loop3A_378 : vector<1x16xf32> to vector<16xf32>
        %parallel_loop3A_380 = arith.maximumf %parallel_loop3A_356, %parallel_loop3A_379 : vector<16xf32>
        %parallel_loop3A_381 = arith.index_cast %parallel_loop3A_352 : i32 to index
        %parallel_loop3A_382 = arith.constant 64 : index
        %parallel_loop3A_383 = tpu.vector_load %arg6[%parallel_loop3A_381, %parallel_loop3A_382] {strides = array<i32>} : memref<256x128xf32, #tpu.memory_space<vmem>>, vector<1x16xf32>,
        %parallel_loop3A_384 = vector.shape_cast %parallel_loop3A_383 : vector<1x16xf32> to vector<16xf32>
        %parallel_loop3A_385 = arith.maximumf %parallel_loop3A_357, %parallel_loop3A_384 : vector<16xf32>
        %parallel_loop3A_386 = arith.index_cast %parallel_loop3A_352 : i32 to index
        %parallel_loop3A_387 = arith.constant 80 : index
        %parallel_loop3A_388 = tpu.vector_load %arg6[%parallel_loop3A_386, %parallel_loop3A_387] {strides = array<i32>} : memref<256x128xf32, #tpu.memory_space<vmem>>, vector<1x16xf32>,
        %parallel_loop3A_389 = vector.shape_cast %parallel_loop3A_388 : vector<1x16xf32> to vector<16xf32>
        %parallel_loop3A_390 = arith.maximumf %parallel_loop3A_358, %parallel_loop3A_389 : vector<16xf32>
        %parallel_loop3A_391 = arith.index_cast %parallel_loop3A_352 : i32 to index
        %parallel_loop3A_392 = arith.constant 96 : index
        %parallel_loop3A_393 = tpu.vector_load %arg6[%parallel_loop3A_391, %parallel_loop3A_392] {strides = array<i32>} : memref<256x128xf32, #tpu.memory_space<vmem>>, vector<1x16xf32>,
        %parallel_loop3A_394 = vector.shape_cast %parallel_loop3A_393 : vector<1x16xf32> to vector<16xf32>
        %parallel_loop3A_395 = arith.maximumf %parallel_loop3A_359, %parallel_loop3A_394 : vector<16xf32>
        %parallel_loop3A_396 = arith.index_cast %parallel_loop3A_352 : i32 to index
        %parallel_loop3A_397 = arith.constant 112 : index
        %parallel_loop3A_398 = tpu.vector_load %arg6[%parallel_loop3A_396, %parallel_loop3A_397] {strides = array<i32>} : memref<256x128xf32, #tpu.memory_space<vmem>>, vector<1x16xf32>,
        %parallel_loop3A_399 = vector.shape_cast %parallel_loop3A_398 : vector<1x16xf32> to vector<16xf32>
        %parallel_loop3A_400 = arith.maximumf %parallel_loop3A_360, %parallel_loop3A_399 : vector<16xf32>
        scf.yield %parallel_loop3A_365, %parallel_loop3A_370, %parallel_loop3A_375, %parallel_loop3A_380, %parallel_loop3A_385, %parallel_loop3A_390, %parallel_loop3A_395, %parallel_loop3A_400 : vector<16xf32>, vector<16xf32>, vector<16xf32>, vector<16xf32>, vector<16xf32>, vector<16xf32>, vector<16xf32>, vector<16xf32>
      } {sc.loop_unroll_factor = 4 : i64, sc.parallel_access}
      %add3A_316 = arith.constant 2 : i32
      %add3A_317 = arith.addi %mul3A_278, %add3A_316 : i32
      %lt3A_318 = arith.cmpi slt, %add3A_317, %max3A_70 : i32
      %convert_element_type3A_319 = arith.extui %lt3A_318 : i1 to i32
      %cond3A_320 = arith.constant 0 : i32
      %cond3A_321 = arith.cmpi ne, %convert_element_type3A_319, %cond3A_320 : i32
      scf.if %cond3A_321 {
        %add3A_352 = arith.constant 2 : i32
        %add3A_353 = arith.addi %mul3A_278, %add3A_352 : i32
        %add3A_354 = arith.constant 6 : i32
        %add3A_355 = arith.addi %add3A_354, %add3A_353 : i32
        %mul3A_356 = arith.constant 256 : i32
        %mul3A_357 = arith.muli %add3A_355, %mul3A_356 : i32
        %dma_start3A = tpu.memref_slice %arg2[%select_n3A, %mul3A_357, %mul3A_32] : memref<16x4096x256xf32, #tpu.memory_space<hbm>> -> memref<1x256x128xf32, #tpu.memory_space<hbm>>
        %dma_start3A_358 = tpu.memref_squeeze %dma_start3A : memref<1x256x128xf32, #tpu.memory_space<hbm>> -> memref<256x128xf32, #tpu.memory_space<hbm>>
        %dma_start3A_359 = tpu.memref_slice %arg2[%select_n3A, %mul3A_357, %mul3A_32] : memref<16x4096x256xf32, #tpu.memory_space<hbm>> -> memref<1x256x128xf32, #tpu.memory_space<hbm>>
        %dma_start3A_360 = tpu.memref_squeeze %dma_start3A_359 : memref<1x256x128xf32, #tpu.memory_space<hbm>> -> memref<256x128xf32, #tpu.memory_space<hbm>>
        tpu.enqueue_dma source(%dma_start3A_360 : memref<256x128xf32, #tpu.memory_space<hbm>>) target(%arg6 : memref<256x128xf32, #tpu.memory_space<vmem>>) target_semaphore(%arg9 : memref<!tpu.dma_semaphore, #tpu.memory_space<semaphore_mem>>)
      } else {
      }
      %lt3A_322 = arith.cmpi slt, %add3A_280, %max3A_70 : i32
      %convert_element_type3A_323 = arith.extui %lt3A_322 : i1 to i32
      %cond3A_324 = arith.constant 0 : i32
      %cond3A_325 = arith.cmpi ne, %convert_element_type3A_323, %cond3A_324 : i32
      scf.if %cond3A_325 {
        %add3A_352 = arith.constant 6 : i32
        %add3A_353 = arith.addi %add3A_352, %add3A_280 : i32
        %mul3A_354 = arith.constant 256 : i32
        %mul3A_355 = arith.muli %add3A_353, %mul3A_354 : i32
        %dma_wait3A_356 = tpu.memref_slice %arg2[%select_n3A, %mul3A_355, %mul3A_32] : memref<16x4096x256xf32, #tpu.memory_space<hbm>> -> memref<1x256x128xf32, #tpu.memory_space<hbm>>
        %dma_wait3A_357 = tpu.memref_squeeze %dma_wait3A_356 : memref<1x256x128xf32, #tpu.memory_space<hbm>> -> memref<256x128xf32, #tpu.memory_space<hbm>>
        %dma_wait3A_358 = tpu.memref_slice %arg2[%select_n3A, %mul3A_355, %mul3A_32] : memref<16x4096x256xf32, #tpu.memory_space<hbm>> -> memref<1x256x128xf32, #tpu.memory_space<hbm>>
        %dma_wait3A_359 = tpu.memref_squeeze %dma_wait3A_358 : memref<1x256x128xf32, #tpu.memory_space<hbm>> -> memref<256x128xf32, #tpu.memory_space<hbm>>
        tpu.wait_dma2 semaphore(%arg10 : memref<!tpu.dma_semaphore, #tpu.memory_space<semaphore_mem>>) src(%dma_wait3A_359 : memref<256x128xf32, #tpu.memory_space<hbm>>) dst(%arg7 : memref<256x128xf32, #tpu.memory_space<vmem>>)
      } else {
      }
      %add3A_326 = arith.constant 6 : i32
      %add3A_327 = arith.addi %add3A_326, %add3A_280 : i32
      %mul3A_328 = arith.constant 256 : i32
      %mul3A_329 = arith.muli %add3A_327, %mul3A_328 : i32
      %sub3A_330 = arith.subi %squeeze3A, %mul3A_329 : i32
      %jit3A_331 = arith.constant 0 : i32
      %jit3A_332 = arith.constant 256 : i32
      %max3A_333 = arith.maxsi %jit3A_331, %sub3A_330 : i32
      %min3A_334 = arith.minsi %jit3A_332, %max3A_333 : i32
      %sub3A_335 = arith.subi %squeeze3A_36, %mul3A_329 : i32
      %jit3A_336 = arith.constant 0 : i32
      %jit3A_337 = arith.constant 256 : i32
      %max3A_338 = arith.maxsi %jit3A_336, %sub3A_335 : i32
      %min3A_339 = arith.minsi %jit3A_337, %max3A_338 : i32
      %sub3A_340 = arith.subi %squeeze3A_38, %mul3A_329 : i32
      %jit3A_341 = arith.constant 0 : i32
      %jit3A_342 = arith.constant 256 : i32
      %max3A_343 = arith.maxsi %jit3A_341, %sub3A_340 : i32
      %min3A_344 = arith.minsi %jit3A_342, %max3A_343 : i32
      %parallel_loop3A_345 = arith.constant 0 : i32
      %parallel_loop3A_346 = arith.constant 1 : i32
      %parallel_loop3A_347:8 = scf.for %parallel_loop3A_352 = %parallel_loop3A_345 to %min3A_334 step %parallel_loop3A_346 iter_args(%parallel_loop3A_353 = %parallel_loop3A_311#0, %parallel_loop3A_354 = %parallel_loop3A_311#1, %parallel_loop3A_355 = %parallel_loop3A_311#2, %parallel_loop3A_356 = %parallel_loop3A_311#3, %parallel_loop3A_357 = %parallel_loop3A_311#4, %parallel_loop3A_358 = %parallel_loop3A_311#5, %parallel_loop3A_359 = %parallel_loop3A_311#6, %parallel_loop3A_360 = %parallel_loop3A_311#7) -> (vector<16xf32>, vector<16xf32>, vector<16xf32>, vector<16xf32>, vector<16xf32>, vector<16xf32>, vector<16xf32>, vector<16xf32>)  : i32 {
        %parallel_loop3A_361 = arith.index_cast %parallel_loop3A_352 : i32 to index
        %parallel_loop3A_362 = arith.constant 0 : index
        %parallel_loop3A_363 = tpu.vector_load %arg7[%parallel_loop3A_361, %parallel_loop3A_362] {strides = array<i32>} : memref<256x128xf32, #tpu.memory_space<vmem>>, vector<1x16xf32>,
        %parallel_loop3A_364 = vector.shape_cast %parallel_loop3A_363 : vector<1x16xf32> to vector<16xf32>
        %parallel_loop3A_365 = arith.maximumf %parallel_loop3A_353, %parallel_loop3A_364 : vector<16xf32>
        %parallel_loop3A_366 = arith.index_cast %parallel_loop3A_352 : i32 to index
        %parallel_loop3A_367 = arith.constant 16 : index
        %parallel_loop3A_368 = tpu.vector_load %arg7[%parallel_loop3A_366, %parallel_loop3A_367] {strides = array<i32>} : memref<256x128xf32, #tpu.memory_space<vmem>>, vector<1x16xf32>,
        %parallel_loop3A_369 = vector.shape_cast %parallel_loop3A_368 : vector<1x16xf32> to vector<16xf32>
        %parallel_loop3A_370 = arith.maximumf %parallel_loop3A_354, %parallel_loop3A_369 : vector<16xf32>
        %parallel_loop3A_371 = arith.index_cast %parallel_loop3A_352 : i32 to index
        %parallel_loop3A_372 = arith.constant 32 : index
        %parallel_loop3A_373 = tpu.vector_load %arg7[%parallel_loop3A_371, %parallel_loop3A_372] {strides = array<i32>} : memref<256x128xf32, #tpu.memory_space<vmem>>, vector<1x16xf32>,
        %parallel_loop3A_374 = vector.shape_cast %parallel_loop3A_373 : vector<1x16xf32> to vector<16xf32>
        %parallel_loop3A_375 = arith.maximumf %parallel_loop3A_355, %parallel_loop3A_374 : vector<16xf32>
        %parallel_loop3A_376 = arith.index_cast %parallel_loop3A_352 : i32 to index
        %parallel_loop3A_377 = arith.constant 48 : index
        %parallel_loop3A_378 = tpu.vector_load %arg7[%parallel_loop3A_376, %parallel_loop3A_377] {strides = array<i32>} : memref<256x128xf32, #tpu.memory_space<vmem>>, vector<1x16xf32>,
        %parallel_loop3A_379 = vector.shape_cast %parallel_loop3A_378 : vector<1x16xf32> to vector<16xf32>
        %parallel_loop3A_380 = arith.maximumf %parallel_loop3A_356, %parallel_loop3A_379 : vector<16xf32>
        %parallel_loop3A_381 = arith.index_cast %parallel_loop3A_352 : i32 to index
        %parallel_loop3A_382 = arith.constant 64 : index
        %parallel_loop3A_383 = tpu.vector_load %arg7[%parallel_loop3A_381, %parallel_loop3A_382] {strides = array<i32>} : memref<256x128xf32, #tpu.memory_space<vmem>>, vector<1x16xf32>,
        %parallel_loop3A_384 = vector.shape_cast %parallel_loop3A_383 : vector<1x16xf32> to vector<16xf32>
        %parallel_loop3A_385 = arith.maximumf %parallel_loop3A_357, %parallel_loop3A_384 : vector<16xf32>
        %parallel_loop3A_386 = arith.index_cast %parallel_loop3A_352 : i32 to index
        %parallel_loop3A_387 = arith.constant 80 : index
        %parallel_loop3A_388 = tpu.vector_load %arg7[%parallel_loop3A_386, %parallel_loop3A_387] {strides = array<i32>} : memref<256x128xf32, #tpu.memory_space<vmem>>, vector<1x16xf32>,
        %parallel_loop3A_389 = vector.shape_cast %parallel_loop3A_388 : vector<1x16xf32> to vector<16xf32>
        %parallel_loop3A_390 = arith.maximumf %parallel_loop3A_358, %parallel_loop3A_389 : vector<16xf32>
        %parallel_loop3A_391 = arith.index_cast %parallel_loop3A_352 : i32 to index
        %parallel_loop3A_392 = arith.constant 96 : index
        %parallel_loop3A_393 = tpu.vector_load %arg7[%parallel_loop3A_391, %parallel_loop3A_392] {strides = array<i32>} : memref<256x128xf32, #tpu.memory_space<vmem>>, vector<1x16xf32>,
        %parallel_loop3A_394 = vector.shape_cast %parallel_loop3A_393 : vector<1x16xf32> to vector<16xf32>
        %parallel_loop3A_395 = arith.maximumf %parallel_loop3A_359, %parallel_loop3A_394 : vector<16xf32>
        %parallel_loop3A_396 = arith.index_cast %parallel_loop3A_352 : i32 to index
        %parallel_loop3A_397 = arith.constant 112 : index
        %parallel_loop3A_398 = tpu.vector_load %arg7[%parallel_loop3A_396, %parallel_loop3A_397] {strides = array<i32>} : memref<256x128xf32, #tpu.memory_space<vmem>>, vector<1x16xf32>,
        %parallel_loop3A_399 = vector.shape_cast %parallel_loop3A_398 : vector<1x16xf32> to vector<16xf32>
        %parallel_loop3A_400 = arith.maximumf %parallel_loop3A_360, %parallel_loop3A_399 : vector<16xf32>
        scf.yield %parallel_loop3A_365, %parallel_loop3A_370, %parallel_loop3A_375, %parallel_loop3A_380, %parallel_loop3A_385, %parallel_loop3A_390, %parallel_loop3A_395, %parallel_loop3A_400 : vector<16xf32>, vector<16xf32>, vector<16xf32>, vector<16xf32>, vector<16xf32>, vector<16xf32>, vector<16xf32>, vector<16xf32>
      } {sc.loop_unroll_factor = 4 : i64, sc.parallel_access}
      %parallel_loop3A_348 = arith.constant 1 : i32
      %parallel_loop3A_349:8 = scf.for %parallel_loop3A_352 = %min3A_334 to %min3A_339 step %parallel_loop3A_348 iter_args(%parallel_loop3A_353 = %parallel_loop3A_313#0, %parallel_loop3A_354 = %parallel_loop3A_313#1, %parallel_loop3A_355 = %parallel_loop3A_313#2, %parallel_loop3A_356 = %parallel_loop3A_313#3, %parallel_loop3A_357 = %parallel_loop3A_313#4, %parallel_loop3A_358 = %parallel_loop3A_313#5, %parallel_loop3A_359 = %parallel_loop3A_313#6, %parallel_loop3A_360 = %parallel_loop3A_313#7) -> (vector<16xf32>, vector<16xf32>, vector<16xf32>, vector<16xf32>, vector<16xf32>, vector<16xf32>, vector<16xf32>, vector<16xf32>)  : i32 {
        %parallel_loop3A_361 = arith.index_cast %parallel_loop3A_352 : i32 to index
        %parallel_loop3A_362 = arith.constant 0 : index
        %parallel_loop3A_363 = tpu.vector_load %arg7[%parallel_loop3A_361, %parallel_loop3A_362] {strides = array<i32>} : memref<256x128xf32, #tpu.memory_space<vmem>>, vector<1x16xf32>,
        %parallel_loop3A_364 = vector.shape_cast %parallel_loop3A_363 : vector<1x16xf32> to vector<16xf32>
        %parallel_loop3A_365 = arith.maximumf %parallel_loop3A_353, %parallel_loop3A_364 : vector<16xf32>
        %parallel_loop3A_366 = arith.index_cast %parallel_loop3A_352 : i32 to index
        %parallel_loop3A_367 = arith.constant 16 : index
        %parallel_loop3A_368 = tpu.vector_load %arg7[%parallel_loop3A_366, %parallel_loop3A_367] {strides = array<i32>} : memref<256x128xf32, #tpu.memory_space<vmem>>, vector<1x16xf32>,
        %parallel_loop3A_369 = vector.shape_cast %parallel_loop3A_368 : vector<1x16xf32> to vector<16xf32>
        %parallel_loop3A_370 = arith.maximumf %parallel_loop3A_354, %parallel_loop3A_369 : vector<16xf32>
        %parallel_loop3A_371 = arith.index_cast %parallel_loop3A_352 : i32 to index
        %parallel_loop3A_372 = arith.constant 32 : index
        %parallel_loop3A_373 = tpu.vector_load %arg7[%parallel_loop3A_371, %parallel_loop3A_372] {strides = array<i32>} : memref<256x128xf32, #tpu.memory_space<vmem>>, vector<1x16xf32>,
        %parallel_loop3A_374 = vector.shape_cast %parallel_loop3A_373 : vector<1x16xf32> to vector<16xf32>
        %parallel_loop3A_375 = arith.maximumf %parallel_loop3A_355, %parallel_loop3A_374 : vector<16xf32>
        %parallel_loop3A_376 = arith.index_cast %parallel_loop3A_352 : i32 to index
        %parallel_loop3A_377 = arith.constant 48 : index
        %parallel_loop3A_378 = tpu.vector_load %arg7[%parallel_loop3A_376, %parallel_loop3A_377] {strides = array<i32>} : memref<256x128xf32, #tpu.memory_space<vmem>>, vector<1x16xf32>,
        %parallel_loop3A_379 = vector.shape_cast %parallel_loop3A_378 : vector<1x16xf32> to vector<16xf32>
        %parallel_loop3A_380 = arith.maximumf %parallel_loop3A_356, %parallel_loop3A_379 : vector<16xf32>
        %parallel_loop3A_381 = arith.index_cast %parallel_loop3A_352 : i32 to index
        %parallel_loop3A_382 = arith.constant 64 : index
        %parallel_loop3A_383 = tpu.vector_load %arg7[%parallel_loop3A_381, %parallel_loop3A_382] {strides = array<i32>} : memref<256x128xf32, #tpu.memory_space<vmem>>, vector<1x16xf32>,
        %parallel_loop3A_384 = vector.shape_cast %parallel_loop3A_383 : vector<1x16xf32> to vector<16xf32>
        %parallel_loop3A_385 = arith.maximumf %parallel_loop3A_357, %parallel_loop3A_384 : vector<16xf32>
        %parallel_loop3A_386 = arith.index_cast %parallel_loop3A_352 : i32 to index
        %parallel_loop3A_387 = arith.constant 80 : index
        %parallel_loop3A_388 = tpu.vector_load %arg7[%parallel_loop3A_386, %parallel_loop3A_387] {strides = array<i32>} : memref<256x128xf32, #tpu.memory_space<vmem>>, vector<1x16xf32>,
        %parallel_loop3A_389 = vector.shape_cast %parallel_loop3A_388 : vector<1x16xf32> to vector<16xf32>
        %parallel_loop3A_390 = arith.maximumf %parallel_loop3A_358, %parallel_loop3A_389 : vector<16xf32>
        %parallel_loop3A_391 = arith.index_cast %parallel_loop3A_352 : i32 to index
        %parallel_loop3A_392 = arith.constant 96 : index
        %parallel_loop3A_393 = tpu.vector_load %arg7[%parallel_loop3A_391, %parallel_loop3A_392] {strides = array<i32>} : memref<256x128xf32, #tpu.memory_space<vmem>>, vector<1x16xf32>,
        %parallel_loop3A_394 = vector.shape_cast %parallel_loop3A_393 : vector<1x16xf32> to vector<16xf32>
        %parallel_loop3A_395 = arith.maximumf %parallel_loop3A_359, %parallel_loop3A_394 : vector<16xf32>
        %parallel_loop3A_396 = arith.index_cast %parallel_loop3A_352 : i32 to index
        %parallel_loop3A_397 = arith.constant 112 : index
        %parallel_loop3A_398 = tpu.vector_load %arg7[%parallel_loop3A_396, %parallel_loop3A_397] {strides = array<i32>} : memref<256x128xf32, #tpu.memory_space<vmem>>, vector<1x16xf32>,
        %parallel_loop3A_399 = vector.shape_cast %parallel_loop3A_398 : vector<1x16xf32> to vector<16xf32>
        %parallel_loop3A_400 = arith.maximumf %parallel_loop3A_360, %parallel_loop3A_399 : vector<16xf32>
        scf.yield %parallel_loop3A_365, %parallel_loop3A_370, %parallel_loop3A_375, %parallel_loop3A_380, %parallel_loop3A_385, %parallel_loop3A_390, %parallel_loop3A_395, %parallel_loop3A_400 : vector<16xf32>, vector<16xf32>, vector<16xf32>, vector<16xf32>, vector<16xf32>, vector<16xf32>, vector<16xf32>, vector<16xf32>
      } {sc.loop_unroll_factor = 4 : i64, sc.parallel_access}
      %parallel_loop3A_350 = arith.constant 1 : i32
      %parallel_loop3A_351:8 = scf.for %parallel_loop3A_352 = %min3A_339 to %min3A_344 step %parallel_loop3A_350 iter_args(%parallel_loop3A_353 = %parallel_loop3A_315#0, %parallel_loop3A_354 = %parallel_loop3A_315#1, %parallel_loop3A_355 = %parallel_loop3A_315#2, %parallel_loop3A_356 = %parallel_loop3A_315#3, %parallel_loop3A_357 = %parallel_loop3A_315#4, %parallel_loop3A_358 = %parallel_loop3A_315#5, %parallel_loop3A_359 = %parallel_loop3A_315#6, %parallel_loop3A_360 = %parallel_loop3A_315#7) -> (vector<16xf32>, vector<16xf32>, vector<16xf32>, vector<16xf32>, vector<16xf32>, vector<16xf32>, vector<16xf32>, vector<16xf32>)  : i32 {
        %parallel_loop3A_361 = arith.index_cast %parallel_loop3A_352 : i32 to index
        %parallel_loop3A_362 = arith.constant 0 : index
        %parallel_loop3A_363 = tpu.vector_load %arg7[%parallel_loop3A_361, %parallel_loop3A_362] {strides = array<i32>} : memref<256x128xf32, #tpu.memory_space<vmem>>, vector<1x16xf32>,
        %parallel_loop3A_364 = vector.shape_cast %parallel_loop3A_363 : vector<1x16xf32> to vector<16xf32>
        %parallel_loop3A_365 = arith.maximumf %parallel_loop3A_353, %parallel_loop3A_364 : vector<16xf32>
        %parallel_loop3A_366 = arith.index_cast %parallel_loop3A_352 : i32 to index
        %parallel_loop3A_367 = arith.constant 16 : index
        %parallel_loop3A_368 = tpu.vector_load %arg7[%parallel_loop3A_366, %parallel_loop3A_367] {strides = array<i32>} : memref<256x128xf32, #tpu.memory_space<vmem>>, vector<1x16xf32>,
        %parallel_loop3A_369 = vector.shape_cast %parallel_loop3A_368 : vector<1x16xf32> to vector<16xf32>
        %parallel_loop3A_370 = arith.maximumf %parallel_loop3A_354, %parallel_loop3A_369 : vector<16xf32>
        %parallel_loop3A_371 = arith.index_cast %parallel_loop3A_352 : i32 to index
        %parallel_loop3A_372 = arith.constant 32 : index
        %parallel_loop3A_373 = tpu.vector_load %arg7[%parallel_loop3A_371, %parallel_loop3A_372] {strides = array<i32>} : memref<256x128xf32, #tpu.memory_space<vmem>>, vector<1x16xf32>,
        %parallel_loop3A_374 = vector.shape_cast %parallel_loop3A_373 : vector<1x16xf32> to vector<16xf32>
        %parallel_loop3A_375 = arith.maximumf %parallel_loop3A_355, %parallel_loop3A_374 : vector<16xf32>
        %parallel_loop3A_376 = arith.index_cast %parallel_loop3A_352 : i32 to index
        %parallel_loop3A_377 = arith.constant 48 : index
        %parallel_loop3A_378 = tpu.vector_load %arg7[%parallel_loop3A_376, %parallel_loop3A_377] {strides = array<i32>} : memref<256x128xf32, #tpu.memory_space<vmem>>, vector<1x16xf32>,
        %parallel_loop3A_379 = vector.shape_cast %parallel_loop3A_378 : vector<1x16xf32> to vector<16xf32>
        %parallel_loop3A_380 = arith.maximumf %parallel_loop3A_356, %parallel_loop3A_379 : vector<16xf32>
        %parallel_loop3A_381 = arith.index_cast %parallel_loop3A_352 : i32 to index
        %parallel_loop3A_382 = arith.constant 64 : index
        %parallel_loop3A_383 = tpu.vector_load %arg7[%parallel_loop3A_381, %parallel_loop3A_382] {strides = array<i32>} : memref<256x128xf32, #tpu.memory_space<vmem>>, vector<1x16xf32>,
        %parallel_loop3A_384 = vector.shape_cast %parallel_loop3A_383 : vector<1x16xf32> to vector<16xf32>
        %parallel_loop3A_385 = arith.maximumf %parallel_loop3A_357, %parallel_loop3A_384 : vector<16xf32>
        %parallel_loop3A_386 = arith.index_cast %parallel_loop3A_352 : i32 to index
        %parallel_loop3A_387 = arith.constant 80 : index
        %parallel_loop3A_388 = tpu.vector_load %arg7[%parallel_loop3A_386, %parallel_loop3A_387] {strides = array<i32>} : memref<256x128xf32, #tpu.memory_space<vmem>>, vector<1x16xf32>,
        %parallel_loop3A_389 = vector.shape_cast %parallel_loop3A_388 : vector<1x16xf32> to vector<16xf32>
        %parallel_loop3A_390 = arith.maximumf %parallel_loop3A_358, %parallel_loop3A_389 : vector<16xf32>
        %parallel_loop3A_391 = arith.index_cast %parallel_loop3A_352 : i32 to index
        %parallel_loop3A_392 = arith.constant 96 : index
        %parallel_loop3A_393 = tpu.vector_load %arg7[%parallel_loop3A_391, %parallel_loop3A_392] {strides = array<i32>} : memref<256x128xf32, #tpu.memory_space<vmem>>, vector<1x16xf32>,
        %parallel_loop3A_394 = vector.shape_cast %parallel_loop3A_393 : vector<1x16xf32> to vector<16xf32>
        %parallel_loop3A_395 = arith.maximumf %parallel_loop3A_359, %parallel_loop3A_394 : vector<16xf32>
        %parallel_loop3A_396 = arith.index_cast %parallel_loop3A_352 : i32 to index
        %parallel_loop3A_397 = arith.constant 112 : index
        %parallel_loop3A_398 = tpu.vector_load %arg7[%parallel_loop3A_396, %parallel_loop3A_397] {strides = array<i32>} : memref<256x128xf32, #tpu.memory_space<vmem>>, vector<1x16xf32>,
        %parallel_loop3A_399 = vector.shape_cast %parallel_loop3A_398 : vector<1x16xf32> to vector<16xf32>
        %parallel_loop3A_400 = arith.maximumf %parallel_loop3A_360, %parallel_loop3A_399 : vector<16xf32>
        scf.yield %parallel_loop3A_365, %parallel_loop3A_370, %parallel_loop3A_375, %parallel_loop3A_380, %parallel_loop3A_385, %parallel_loop3A_390, %parallel_loop3A_395, %parallel_loop3A_400 : vector<16xf32>, vector<16xf32>, vector<16xf32>, vector<16xf32>, vector<16xf32>, vector<16xf32>, vector<16xf32>, vector<16xf32>
      } {sc.loop_unroll_factor = 4 : i64, sc.parallel_access}
      scf.yield %parallel_loop3A_347#0, %parallel_loop3A_347#1, %parallel_loop3A_347#2, %parallel_loop3A_347#3, %parallel_loop3A_347#4, %parallel_loop3A_347#5, %parallel_loop3A_347#6, %parallel_loop3A_347#7, %parallel_loop3A_349#0, %parallel_loop3A_349#1, %parallel_loop3A_349#2, %parallel_loop3A_349#3, %parallel_loop3A_349#4, %parallel_loop3A_349#5, %parallel_loop3A_349#6, %parallel_loop3A_349#7, %parallel_loop3A_351#0, %parallel_loop3A_351#1, %parallel_loop3A_351#2, %parallel_loop3A_351#3, %parallel_loop3A_351#4, %parallel_loop3A_351#5, %parallel_loop3A_351#6, %parallel_loop3A_351#7 : vector<16xf32>, vector<16xf32>, vector<16xf32>, vector<16xf32>, vector<16xf32>, vector<16xf32>, vector<16xf32>, vector<16xf32>, vector<16xf32>, vector<16xf32>, vector<16xf32>, vector<16xf32>, vector<16xf32>, vector<16xf32>, vector<16xf32>, vector<16xf32>, vector<16xf32>, vector<16xf32>, vector<16xf32>, vector<16xf32>, vector<16xf32>, vector<16xf32>, vector<16xf32>, vector<16xf32>
    }
    %while3A_107 = arith.constant 1 : i32
    %while3A_108:24 = scf.for %while3A_252 = %while3A_104 to %while3A_100 step %while3A_107 iter_args(%while3A_253 = %while3A_106#0, %while3A_254 = %while3A_106#1, %while3A_255 = %while3A_106#2, %while3A_256 = %while3A_106#3, %while3A_257 = %while3A_106#4, %while3A_258 = %while3A_106#5, %while3A_259 = %while3A_106#6, %while3A_260 = %while3A_106#7, %while3A_261 = %while3A_106#8, %while3A_262 = %while3A_106#9, %while3A_263 = %while3A_106#10, %while3A_264 = %while3A_106#11, %while3A_265 = %while3A_106#12, %while3A_266 = %while3A_106#13, %while3A_267 = %while3A_106#14, %while3A_268 = %while3A_106#15, %while3A_269 = %while3A_106#16, %while3A_270 = %while3A_106#17, %while3A_271 = %while3A_106#18, %while3A_272 = %while3A_106#19, %while3A_273 = %while3A_106#20, %while3A_274 = %while3A_106#21, %while3A_275 = %while3A_106#22, %while3A_276 = %while3A_106#23) -> (vector<16xf32>, vector<16xf32>, vector<16xf32>, vector<16xf32>, vector<16xf32>, vector<16xf32>, vector<16xf32>, vector<16xf32>, vector<16xf32>, vector<16xf32>, vector<16xf32>, vector<16xf32>, vector<16xf32>, vector<16xf32>, vector<16xf32>, vector<16xf32>, vector<16xf32>, vector<16xf32>, vector<16xf32>, vector<16xf32>, vector<16xf32>, vector<16xf32>, vector<16xf32>, vector<16xf32>)  : i32 {
      %mul3A_277 = arith.constant 2 : i32
      %mul3A_278 = arith.muli %mul3A_277, %while3A_252 : i32
      %add3A_279 = arith.constant 1 : i32
      %add3A_280 = arith.addi %mul3A_278, %add3A_279 : i32
      %add3A_281 = arith.constant 6 : i32
      %add3A_282 = arith.addi %add3A_281, %mul3A_278 : i32
      %mul3A_283 = arith.constant 256 : i32
      %mul3A_284 = arith.muli %add3A_282, %mul3A_283 : i32
      %dma_wait3A = tpu.memref_slice %arg2[%select_n3A, %mul3A_284, %mul3A_32] : memref<16x4096x256xf32, #tpu.memory_space<hbm>> -> memref<1x256x128xf32, #tpu.memory_space<hbm>>
      %dma_wait3A_285 = tpu.memref_squeeze %dma_wait3A : memref<1x256x128xf32, #tpu.memory_space<hbm>> -> memref<256x128xf32, #tpu.memory_space<hbm>>
      %dma_wait3A_286 = tpu.memref_slice %arg2[%select_n3A, %mul3A_284, %mul3A_32] : memref<16x4096x256xf32, #tpu.memory_space<hbm>> -> memref<1x256x128xf32, #tpu.memory_space<hbm>>
      %dma_wait3A_287 = tpu.memref_squeeze %dma_wait3A_286 : memref<1x256x128xf32, #tpu.memory_space<hbm>> -> memref<256x128xf32, #tpu.memory_space<hbm>>
      tpu.wait_dma2 semaphore(%arg9 : memref<!tpu.dma_semaphore, #tpu.memory_space<semaphore_mem>>) src(%dma_wait3A_287 : memref<256x128xf32, #tpu.memory_space<hbm>>) dst(%arg6 : memref<256x128xf32, #tpu.memory_space<vmem>>)
      %lt3A_288 = arith.cmpi slt, %add3A_280, %max3A_70 : i32
      %convert_element_type3A_289 = arith.extui %lt3A_288 : i1 to i32
      %cond3A_290 = arith.constant 0 : i32
      %cond3A_291 = arith.cmpi ne, %convert_element_type3A_289, %cond3A_290 : i32
      scf.if %cond3A_291 {
        %add3A_352 = arith.constant 6 : i32
        %add3A_353 = arith.addi %add3A_352, %add3A_280 : i32
        %mul3A_354 = arith.constant 256 : i32
        %mul3A_355 = arith.muli %add3A_353, %mul3A_354 : i32
        %dma_start3A = tpu.memref_slice %arg2[%select_n3A, %mul3A_355, %mul3A_32] : memref<16x4096x256xf32, #tpu.memory_space<hbm>> -> memref<1x256x128xf32, #tpu.memory_space<hbm>>
        %dma_start3A_356 = tpu.memref_squeeze %dma_start3A : memref<1x256x128xf32, #tpu.memory_space<hbm>> -> memref<256x128xf32, #tpu.memory_space<hbm>>
        %dma_start3A_357 = tpu.memref_slice %arg2[%select_n3A, %mul3A_355, %mul3A_32] : memref<16x4096x256xf32, #tpu.memory_space<hbm>> -> memref<1x256x128xf32, #tpu.memory_space<hbm>>
        %dma_start3A_358 = tpu.memref_squeeze %dma_start3A_357 : memref<1x256x128xf32, #tpu.memory_space<hbm>> -> memref<256x128xf32, #tpu.memory_space<hbm>>
        tpu.enqueue_dma source(%dma_start3A_358 : memref<256x128xf32, #tpu.memory_space<hbm>>) target(%arg7 : memref<256x128xf32, #tpu.memory_space<vmem>>) target_semaphore(%arg10 : memref<!tpu.dma_semaphore, #tpu.memory_space<semaphore_mem>>)
      } else {
      }
      %add3A_292 = arith.constant 6 : i32
      %add3A_293 = arith.addi %add3A_292, %mul3A_278 : i32
      %mul3A_294 = arith.constant 256 : i32
      %mul3A_295 = arith.muli %add3A_293, %mul3A_294 : i32
      %sub3A_296 = arith.subi %squeeze3A, %mul3A_295 : i32
      %jit3A_297 = arith.constant 0 : i32
      %jit3A_298 = arith.constant 256 : i32
      %max3A_299 = arith.maxsi %jit3A_297, %sub3A_296 : i32
      %min3A = arith.minsi %jit3A_298, %max3A_299 : i32
      %sub3A_300 = arith.subi %squeeze3A_36, %mul3A_295 : i32
      %jit3A_301 = arith.constant 0 : i32
      %jit3A_302 = arith.constant 256 : i32
      %max3A_303 = arith.maxsi %jit3A_301, %sub3A_300 : i32
      %min3A_304 = arith.minsi %jit3A_302, %max3A_303 : i32
      %sub3A_305 = arith.subi %squeeze3A_38, %mul3A_295 : i32
      %jit3A_306 = arith.constant 0 : i32
      %jit3A_307 = arith.constant 256 : i32
      %max3A_308 = arith.maxsi %jit3A_306, %sub3A_305 : i32
      %min3A_309 = arith.minsi %jit3A_307, %max3A_308 : i32
      %parallel_loop3A = arith.constant 0 : i32
      %parallel_loop3A_310 = arith.constant 1 : i32
      %parallel_loop3A_311:8 = scf.for %parallel_loop3A_352 = %parallel_loop3A to %min3A step %parallel_loop3A_310 iter_args(%parallel_loop3A_353 = %while3A_253, %parallel_loop3A_354 = %while3A_254, %parallel_loop3A_355 = %while3A_255, %parallel_loop3A_356 = %while3A_256, %parallel_loop3A_357 = %while3A_257, %parallel_loop3A_358 = %while3A_258, %parallel_loop3A_359 = %while3A_259, %parallel_loop3A_360 = %while3A_260) -> (vector<16xf32>, vector<16xf32>, vector<16xf32>, vector<16xf32>, vector<16xf32>, vector<16xf32>, vector<16xf32>, vector<16xf32>)  : i32 {
        %parallel_loop3A_361 = arith.index_cast %parallel_loop3A_352 : i32 to index
        %parallel_loop3A_362 = arith.constant 0 : index
        %parallel_loop3A_363 = tpu.vector_load %arg6[%parallel_loop3A_361, %parallel_loop3A_362] {strides = array<i32>} : memref<256x128xf32, #tpu.memory_space<vmem>>, vector<1x16xf32>,
        %parallel_loop3A_364 = vector.shape_cast %parallel_loop3A_363 : vector<1x16xf32> to vector<16xf32>
        %parallel_loop3A_365 = arith.maximumf %parallel_loop3A_353, %parallel_loop3A_364 : vector<16xf32>
        %parallel_loop3A_366 = arith.index_cast %parallel_loop3A_352 : i32 to index
        %parallel_loop3A_367 = arith.constant 16 : index
        %parallel_loop3A_368 = tpu.vector_load %arg6[%parallel_loop3A_366, %parallel_loop3A_367] {strides = array<i32>} : memref<256x128xf32, #tpu.memory_space<vmem>>, vector<1x16xf32>,
        %parallel_loop3A_369 = vector.shape_cast %parallel_loop3A_368 : vector<1x16xf32> to vector<16xf32>
        %parallel_loop3A_370 = arith.maximumf %parallel_loop3A_354, %parallel_loop3A_369 : vector<16xf32>
        %parallel_loop3A_371 = arith.index_cast %parallel_loop3A_352 : i32 to index
        %parallel_loop3A_372 = arith.constant 32 : index
        %parallel_loop3A_373 = tpu.vector_load %arg6[%parallel_loop3A_371, %parallel_loop3A_372] {strides = array<i32>} : memref<256x128xf32, #tpu.memory_space<vmem>>, vector<1x16xf32>,
        %parallel_loop3A_374 = vector.shape_cast %parallel_loop3A_373 : vector<1x16xf32> to vector<16xf32>
        %parallel_loop3A_375 = arith.maximumf %parallel_loop3A_355, %parallel_loop3A_374 : vector<16xf32>
        %parallel_loop3A_376 = arith.index_cast %parallel_loop3A_352 : i32 to index
        %parallel_loop3A_377 = arith.constant 48 : index
        %parallel_loop3A_378 = tpu.vector_load %arg6[%parallel_loop3A_376, %parallel_loop3A_377] {strides = array<i32>} : memref<256x128xf32, #tpu.memory_space<vmem>>, vector<1x16xf32>,
        %parallel_loop3A_379 = vector.shape_cast %parallel_loop3A_378 : vector<1x16xf32> to vector<16xf32>
        %parallel_loop3A_380 = arith.maximumf %parallel_loop3A_356, %parallel_loop3A_379 : vector<16xf32>
        %parallel_loop3A_381 = arith.index_cast %parallel_loop3A_352 : i32 to index
        %parallel_loop3A_382 = arith.constant 64 : index
        %parallel_loop3A_383 = tpu.vector_load %arg6[%parallel_loop3A_381, %parallel_loop3A_382] {strides = array<i32>} : memref<256x128xf32, #tpu.memory_space<vmem>>, vector<1x16xf32>,
        %parallel_loop3A_384 = vector.shape_cast %parallel_loop3A_383 : vector<1x16xf32> to vector<16xf32>
        %parallel_loop3A_385 = arith.maximumf %parallel_loop3A_357, %parallel_loop3A_384 : vector<16xf32>
        %parallel_loop3A_386 = arith.index_cast %parallel_loop3A_352 : i32 to index
        %parallel_loop3A_387 = arith.constant 80 : index
        %parallel_loop3A_388 = tpu.vector_load %arg6[%parallel_loop3A_386, %parallel_loop3A_387] {strides = array<i32>} : memref<256x128xf32, #tpu.memory_space<vmem>>, vector<1x16xf32>,
        %parallel_loop3A_389 = vector.shape_cast %parallel_loop3A_388 : vector<1x16xf32> to vector<16xf32>
        %parallel_loop3A_390 = arith.maximumf %parallel_loop3A_358, %parallel_loop3A_389 : vector<16xf32>
        %parallel_loop3A_391 = arith.index_cast %parallel_loop3A_352 : i32 to index
        %parallel_loop3A_392 = arith.constant 96 : index
        %parallel_loop3A_393 = tpu.vector_load %arg6[%parallel_loop3A_391, %parallel_loop3A_392] {strides = array<i32>} : memref<256x128xf32, #tpu.memory_space<vmem>>, vector<1x16xf32>,
        %parallel_loop3A_394 = vector.shape_cast %parallel_loop3A_393 : vector<1x16xf32> to vector<16xf32>
        %parallel_loop3A_395 = arith.maximumf %parallel_loop3A_359, %parallel_loop3A_394 : vector<16xf32>
        %parallel_loop3A_396 = arith.index_cast %parallel_loop3A_352 : i32 to index
        %parallel_loop3A_397 = arith.constant 112 : index
        %parallel_loop3A_398 = tpu.vector_load %arg6[%parallel_loop3A_396, %parallel_loop3A_397] {strides = array<i32>} : memref<256x128xf32, #tpu.memory_space<vmem>>, vector<1x16xf32>,
        %parallel_loop3A_399 = vector.shape_cast %parallel_loop3A_398 : vector<1x16xf32> to vector<16xf32>
        %parallel_loop3A_400 = arith.maximumf %parallel_loop3A_360, %parallel_loop3A_399 : vector<16xf32>
        scf.yield %parallel_loop3A_365, %parallel_loop3A_370, %parallel_loop3A_375, %parallel_loop3A_380, %parallel_loop3A_385, %parallel_loop3A_390, %parallel_loop3A_395, %parallel_loop3A_400 : vector<16xf32>, vector<16xf32>, vector<16xf32>, vector<16xf32>, vector<16xf32>, vector<16xf32>, vector<16xf32>, vector<16xf32>
      } {sc.loop_unroll_factor = 4 : i64, sc.parallel_access}
      %parallel_loop3A_312 = arith.constant 1 : i32
      %parallel_loop3A_313:8 = scf.for %parallel_loop3A_352 = %min3A to %min3A_304 step %parallel_loop3A_312 iter_args(%parallel_loop3A_353 = %while3A_261, %parallel_loop3A_354 = %while3A_262, %parallel_loop3A_355 = %while3A_263, %parallel_loop3A_356 = %while3A_264, %parallel_loop3A_357 = %while3A_265, %parallel_loop3A_358 = %while3A_266, %parallel_loop3A_359 = %while3A_267, %parallel_loop3A_360 = %while3A_268) -> (vector<16xf32>, vector<16xf32>, vector<16xf32>, vector<16xf32>, vector<16xf32>, vector<16xf32>, vector<16xf32>, vector<16xf32>)  : i32 {
        %parallel_loop3A_361 = arith.index_cast %parallel_loop3A_352 : i32 to index
        %parallel_loop3A_362 = arith.constant 0 : index
        %parallel_loop3A_363 = tpu.vector_load %arg6[%parallel_loop3A_361, %parallel_loop3A_362] {strides = array<i32>} : memref<256x128xf32, #tpu.memory_space<vmem>>, vector<1x16xf32>,
        %parallel_loop3A_364 = vector.shape_cast %parallel_loop3A_363 : vector<1x16xf32> to vector<16xf32>
        %parallel_loop3A_365 = arith.maximumf %parallel_loop3A_353, %parallel_loop3A_364 : vector<16xf32>
        %parallel_loop3A_366 = arith.index_cast %parallel_loop3A_352 : i32 to index
        %parallel_loop3A_367 = arith.constant 16 : index
        %parallel_loop3A_368 = tpu.vector_load %arg6[%parallel_loop3A_366, %parallel_loop3A_367] {strides = array<i32>} : memref<256x128xf32, #tpu.memory_space<vmem>>, vector<1x16xf32>,
        %parallel_loop3A_369 = vector.shape_cast %parallel_loop3A_368 : vector<1x16xf32> to vector<16xf32>
        %parallel_loop3A_370 = arith.maximumf %parallel_loop3A_354, %parallel_loop3A_369 : vector<16xf32>
        %parallel_loop3A_371 = arith.index_cast %parallel_loop3A_352 : i32 to index
        %parallel_loop3A_372 = arith.constant 32 : index
        %parallel_loop3A_373 = tpu.vector_load %arg6[%parallel_loop3A_371, %parallel_loop3A_372] {strides = array<i32>} : memref<256x128xf32, #tpu.memory_space<vmem>>, vector<1x16xf32>,
        %parallel_loop3A_374 = vector.shape_cast %parallel_loop3A_373 : vector<1x16xf32> to vector<16xf32>
        %parallel_loop3A_375 = arith.maximumf %parallel_loop3A_355, %parallel_loop3A_374 : vector<16xf32>
        %parallel_loop3A_376 = arith.index_cast %parallel_loop3A_352 : i32 to index
        %parallel_loop3A_377 = arith.constant 48 : index
        %parallel_loop3A_378 = tpu.vector_load %arg6[%parallel_loop3A_376, %parallel_loop3A_377] {strides = array<i32>} : memref<256x128xf32, #tpu.memory_space<vmem>>, vector<1x16xf32>,
        %parallel_loop3A_379 = vector.shape_cast %parallel_loop3A_378 : vector<1x16xf32> to vector<16xf32>
        %parallel_loop3A_380 = arith.maximumf %parallel_loop3A_356, %parallel_loop3A_379 : vector<16xf32>
        %parallel_loop3A_381 = arith.index_cast %parallel_loop3A_352 : i32 to index
        %parallel_loop3A_382 = arith.constant 64 : index
        %parallel_loop3A_383 = tpu.vector_load %arg6[%parallel_loop3A_381, %parallel_loop3A_382] {strides = array<i32>} : memref<256x128xf32, #tpu.memory_space<vmem>>, vector<1x16xf32>,
        %parallel_loop3A_384 = vector.shape_cast %parallel_loop3A_383 : vector<1x16xf32> to vector<16xf32>
        %parallel_loop3A_385 = arith.maximumf %parallel_loop3A_357, %parallel_loop3A_384 : vector<16xf32>
        %parallel_loop3A_386 = arith.index_cast %parallel_loop3A_352 : i32 to index
        %parallel_loop3A_387 = arith.constant 80 : index
        %parallel_loop3A_388 = tpu.vector_load %arg6[%parallel_loop3A_386, %parallel_loop3A_387] {strides = array<i32>} : memref<256x128xf32, #tpu.memory_space<vmem>>, vector<1x16xf32>,
        %parallel_loop3A_389 = vector.shape_cast %parallel_loop3A_388 : vector<1x16xf32> to vector<16xf32>
        %parallel_loop3A_390 = arith.maximumf %parallel_loop3A_358, %parallel_loop3A_389 : vector<16xf32>
        %parallel_loop3A_391 = arith.index_cast %parallel_loop3A_352 : i32 to index
        %parallel_loop3A_392 = arith.constant 96 : index
        %parallel_loop3A_393 = tpu.vector_load %arg6[%parallel_loop3A_391, %parallel_loop3A_392] {strides = array<i32>} : memref<256x128xf32, #tpu.memory_space<vmem>>, vector<1x16xf32>,
        %parallel_loop3A_394 = vector.shape_cast %parallel_loop3A_393 : vector<1x16xf32> to vector<16xf32>
        %parallel_loop3A_395 = arith.maximumf %parallel_loop3A_359, %parallel_loop3A_394 : vector<16xf32>
        %parallel_loop3A_396 = arith.index_cast %parallel_loop3A_352 : i32 to index
        %parallel_loop3A_397 = arith.constant 112 : index
        %parallel_loop3A_398 = tpu.vector_load %arg6[%parallel_loop3A_396, %parallel_loop3A_397] {strides = array<i32>} : memref<256x128xf32, #tpu.memory_space<vmem>>, vector<1x16xf32>,
        %parallel_loop3A_399 = vector.shape_cast %parallel_loop3A_398 : vector<1x16xf32> to vector<16xf32>
        %parallel_loop3A_400 = arith.maximumf %parallel_loop3A_360, %parallel_loop3A_399 : vector<16xf32>
        scf.yield %parallel_loop3A_365, %parallel_loop3A_370, %parallel_loop3A_375, %parallel_loop3A_380, %parallel_loop3A_385, %parallel_loop3A_390, %parallel_loop3A_395, %parallel_loop3A_400 : vector<16xf32>, vector<16xf32>, vector<16xf32>, vector<16xf32>, vector<16xf32>, vector<16xf32>, vector<16xf32>, vector<16xf32>
      } {sc.loop_unroll_factor = 4 : i64, sc.parallel_access}
      %parallel_loop3A_314 = arith.constant 1 : i32
      %parallel_loop3A_315:8 = scf.for %parallel_loop3A_352 = %min3A_304 to %min3A_309 step %parallel_loop3A_314 iter_args(%parallel_loop3A_353 = %while3A_269, %parallel_loop3A_354 = %while3A_270, %parallel_loop3A_355 = %while3A_271, %parallel_loop3A_356 = %while3A_272, %parallel_loop3A_357 = %while3A_273, %parallel_loop3A_358 = %while3A_274, %parallel_loop3A_359 = %while3A_275, %parallel_loop3A_360 = %while3A_276) -> (vector<16xf32>, vector<16xf32>, vector<16xf32>, vector<16xf32>, vector<16xf32>, vector<16xf32>, vector<16xf32>, vector<16xf32>)  : i32 {
        %parallel_loop3A_361 = arith.index_cast %parallel_loop3A_352 : i32 to index
        %parallel_loop3A_362 = arith.constant 0 : index
        %parallel_loop3A_363 = tpu.vector_load %arg6[%parallel_loop3A_361, %parallel_loop3A_362] {strides = array<i32>} : memref<256x128xf32, #tpu.memory_space<vmem>>, vector<1x16xf32>,
        %parallel_loop3A_364 = vector.shape_cast %parallel_loop3A_363 : vector<1x16xf32> to vector<16xf32>
        %parallel_loop3A_365 = arith.maximumf %parallel_loop3A_353, %parallel_loop3A_364 : vector<16xf32>
        %parallel_loop3A_366 = arith.index_cast %parallel_loop3A_352 : i32 to index
        %parallel_loop3A_367 = arith.constant 16 : index
        %parallel_loop3A_368 = tpu.vector_load %arg6[%parallel_loop3A_366, %parallel_loop3A_367] {strides = array<i32>} : memref<256x128xf32, #tpu.memory_space<vmem>>, vector<1x16xf32>,
        %parallel_loop3A_369 = vector.shape_cast %parallel_loop3A_368 : vector<1x16xf32> to vector<16xf32>
        %parallel_loop3A_370 = arith.maximumf %parallel_loop3A_354, %parallel_loop3A_369 : vector<16xf32>
        %parallel_loop3A_371 = arith.index_cast %parallel_loop3A_352 : i32 to index
        %parallel_loop3A_372 = arith.constant 32 : index
        %parallel_loop3A_373 = tpu.vector_load %arg6[%parallel_loop3A_371, %parallel_loop3A_372] {strides = array<i32>} : memref<256x128xf32, #tpu.memory_space<vmem>>, vector<1x16xf32>,
        %parallel_loop3A_374 = vector.shape_cast %parallel_loop3A_373 : vector<1x16xf32> to vector<16xf32>
        %parallel_loop3A_375 = arith.maximumf %parallel_loop3A_355, %parallel_loop3A_374 : vector<16xf32>
        %parallel_loop3A_376 = arith.index_cast %parallel_loop3A_352 : i32 to index
        %parallel_loop3A_377 = arith.constant 48 : index
        %parallel_loop3A_378 = tpu.vector_load %arg6[%parallel_loop3A_376, %parallel_loop3A_377] {strides = array<i32>} : memref<256x128xf32, #tpu.memory_space<vmem>>, vector<1x16xf32>,
        %parallel_loop3A_379 = vector.shape_cast %parallel_loop3A_378 : vector<1x16xf32> to vector<16xf32>
        %parallel_loop3A_380 = arith.maximumf %parallel_loop3A_356, %parallel_loop3A_379 : vector<16xf32>
        %parallel_loop3A_381 = arith.index_cast %parallel_loop3A_352 : i32 to index
        %parallel_loop3A_382 = arith.constant 64 : index
        %parallel_loop3A_383 = tpu.vector_load %arg6[%parallel_loop3A_381, %parallel_loop3A_382] {strides = array<i32>} : memref<256x128xf32, #tpu.memory_space<vmem>>, vector<1x16xf32>,
        %parallel_loop3A_384 = vector.shape_cast %parallel_loop3A_383 : vector<1x16xf32> to vector<16xf32>
        %parallel_loop3A_385 = arith.maximumf %parallel_loop3A_357, %parallel_loop3A_384 : vector<16xf32>
        %parallel_loop3A_386 = arith.index_cast %parallel_loop3A_352 : i32 to index
        %parallel_loop3A_387 = arith.constant 80 : index
        %parallel_loop3A_388 = tpu.vector_load %arg6[%parallel_loop3A_386, %parallel_loop3A_387] {strides = array<i32>} : memref<256x128xf32, #tpu.memory_space<vmem>>, vector<1x16xf32>,
        %parallel_loop3A_389 = vector.shape_cast %parallel_loop3A_388 : vector<1x16xf32> to vector<16xf32>
        %parallel_loop3A_390 = arith.maximumf %parallel_loop3A_358, %parallel_loop3A_389 : vector<16xf32>
        %parallel_loop3A_391 = arith.index_cast %parallel_loop3A_352 : i32 to index
        %parallel_loop3A_392 = arith.constant 96 : index
        %parallel_loop3A_393 = tpu.vector_load %arg6[%parallel_loop3A_391, %parallel_loop3A_392] {strides = array<i32>} : memref<256x128xf32, #tpu.memory_space<vmem>>, vector<1x16xf32>,
        %parallel_loop3A_394 = vector.shape_cast %parallel_loop3A_393 : vector<1x16xf32> to vector<16xf32>
        %parallel_loop3A_395 = arith.maximumf %parallel_loop3A_359, %parallel_loop3A_394 : vector<16xf32>
        %parallel_loop3A_396 = arith.index_cast %parallel_loop3A_352 : i32 to index
        %parallel_loop3A_397 = arith.constant 112 : index
        %parallel_loop3A_398 = tpu.vector_load %arg6[%parallel_loop3A_396, %parallel_loop3A_397] {strides = array<i32>} : memref<256x128xf32, #tpu.memory_space<vmem>>, vector<1x16xf32>,
        %parallel_loop3A_399 = vector.shape_cast %parallel_loop3A_398 : vector<1x16xf32> to vector<16xf32>
        %parallel_loop3A_400 = arith.maximumf %parallel_loop3A_360, %parallel_loop3A_399 : vector<16xf32>
        scf.yield %parallel_loop3A_365, %parallel_loop3A_370, %parallel_loop3A_375, %parallel_loop3A_380, %parallel_loop3A_385, %parallel_loop3A_390, %parallel_loop3A_395, %parallel_loop3A_400 : vector<16xf32>, vector<16xf32>, vector<16xf32>, vector<16xf32>, vector<16xf32>, vector<16xf32>, vector<16xf32>, vector<16xf32>
      } {sc.loop_unroll_factor = 4 : i64, sc.parallel_access}
      %add3A_316 = arith.constant 2 : i32
      %add3A_317 = arith.addi %mul3A_278, %add3A_316 : i32
      %lt3A_318 = arith.cmpi slt, %add3A_317, %max3A_70 : i32
      %convert_element_type3A_319 = arith.extui %lt3A_318 : i1 to i32
      %cond3A_320 = arith.constant 0 : i32
      %cond3A_321 = arith.cmpi ne, %convert_element_type3A_319, %cond3A_320 : i32
      scf.if %cond3A_321 {
        %add3A_352 = arith.constant 2 : i32
        %add3A_353 = arith.addi %mul3A_278, %add3A_352 : i32
        %add3A_354 = arith.constant 6 : i32
        %add3A_355 = arith.addi %add3A_354, %add3A_353 : i32
        %mul3A_356 = arith.constant 256 : i32
        %mul3A_357 = arith.muli %add3A_355, %mul3A_356 : i32
        %dma_start3A = tpu.memref_slice %arg2[%select_n3A, %mul3A_357, %mul3A_32] : memref<16x4096x256xf32, #tpu.memory_space<hbm>> -> memref<1x256x128xf32, #tpu.memory_space<hbm>>
        %dma_start3A_358 = tpu.memref_squeeze %dma_start3A : memref<1x256x128xf32, #tpu.memory_space<hbm>> -> memref<256x128xf32, #tpu.memory_space<hbm>>
        %dma_start3A_359 = tpu.memref_slice %arg2[%select_n3A, %mul3A_357, %mul3A_32] : memref<16x4096x256xf32, #tpu.memory_space<hbm>> -> memref<1x256x128xf32, #tpu.memory_space<hbm>>
        %dma_start3A_360 = tpu.memref_squeeze %dma_start3A_359 : memref<1x256x128xf32, #tpu.memory_space<hbm>> -> memref<256x128xf32, #tpu.memory_space<hbm>>
        tpu.enqueue_dma source(%dma_start3A_360 : memref<256x128xf32, #tpu.memory_space<hbm>>) target(%arg6 : memref<256x128xf32, #tpu.memory_space<vmem>>) target_semaphore(%arg9 : memref<!tpu.dma_semaphore, #tpu.memory_space<semaphore_mem>>)
      } else {
      }
      %lt3A_322 = arith.cmpi slt, %add3A_280, %max3A_70 : i32
      %convert_element_type3A_323 = arith.extui %lt3A_322 : i1 to i32
      %cond3A_324 = arith.constant 0 : i32
      %cond3A_325 = arith.cmpi ne, %convert_element_type3A_323, %cond3A_324 : i32
      scf.if %cond3A_325 {
        %add3A_352 = arith.constant 6 : i32
        %add3A_353 = arith.addi %add3A_352, %add3A_280 : i32
        %mul3A_354 = arith.constant 256 : i32
        %mul3A_355 = arith.muli %add3A_353, %mul3A_354 : i32
        %dma_wait3A_356 = tpu.memref_slice %arg2[%select_n3A, %mul3A_355, %mul3A_32] : memref<16x4096x256xf32, #tpu.memory_space<hbm>> -> memref<1x256x128xf32, #tpu.memory_space<hbm>>
        %dma_wait3A_357 = tpu.memref_squeeze %dma_wait3A_356 : memref<1x256x128xf32, #tpu.memory_space<hbm>> -> memref<256x128xf32, #tpu.memory_space<hbm>>
        %dma_wait3A_358 = tpu.memref_slice %arg2[%select_n3A, %mul3A_355, %mul3A_32] : memref<16x4096x256xf32, #tpu.memory_space<hbm>> -> memref<1x256x128xf32, #tpu.memory_space<hbm>>
        %dma_wait3A_359 = tpu.memref_squeeze %dma_wait3A_358 : memref<1x256x128xf32, #tpu.memory_space<hbm>> -> memref<256x128xf32, #tpu.memory_space<hbm>>
        tpu.wait_dma2 semaphore(%arg10 : memref<!tpu.dma_semaphore, #tpu.memory_space<semaphore_mem>>) src(%dma_wait3A_359 : memref<256x128xf32, #tpu.memory_space<hbm>>) dst(%arg7 : memref<256x128xf32, #tpu.memory_space<vmem>>)
      } else {
      }
      %add3A_326 = arith.constant 6 : i32
      %add3A_327 = arith.addi %add3A_326, %add3A_280 : i32
      %mul3A_328 = arith.constant 256 : i32
      %mul3A_329 = arith.muli %add3A_327, %mul3A_328 : i32
      %sub3A_330 = arith.subi %squeeze3A, %mul3A_329 : i32
      %jit3A_331 = arith.constant 0 : i32
      %jit3A_332 = arith.constant 256 : i32
      %max3A_333 = arith.maxsi %jit3A_331, %sub3A_330 : i32
      %min3A_334 = arith.minsi %jit3A_332, %max3A_333 : i32
      %sub3A_335 = arith.subi %squeeze3A_36, %mul3A_329 : i32
      %jit3A_336 = arith.constant 0 : i32
      %jit3A_337 = arith.constant 256 : i32
      %max3A_338 = arith.maxsi %jit3A_336, %sub3A_335 : i32
      %min3A_339 = arith.minsi %jit3A_337, %max3A_338 : i32
      %sub3A_340 = arith.subi %squeeze3A_38, %mul3A_329 : i32
      %jit3A_341 = arith.constant 0 : i32
      %jit3A_342 = arith.constant 256 : i32
      %max3A_343 = arith.maxsi %jit3A_341, %sub3A_340 : i32
      %min3A_344 = arith.minsi %jit3A_342, %max3A_343 : i32
      %parallel_loop3A_345 = arith.constant 0 : i32
      %parallel_loop3A_346 = arith.constant 1 : i32
      %parallel_loop3A_347:8 = scf.for %parallel_loop3A_352 = %parallel_loop3A_345 to %min3A_334 step %parallel_loop3A_346 iter_args(%parallel_loop3A_353 = %parallel_loop3A_311#0, %parallel_loop3A_354 = %parallel_loop3A_311#1, %parallel_loop3A_355 = %parallel_loop3A_311#2, %parallel_loop3A_356 = %parallel_loop3A_311#3, %parallel_loop3A_357 = %parallel_loop3A_311#4, %parallel_loop3A_358 = %parallel_loop3A_311#5, %parallel_loop3A_359 = %parallel_loop3A_311#6, %parallel_loop3A_360 = %parallel_loop3A_311#7) -> (vector<16xf32>, vector<16xf32>, vector<16xf32>, vector<16xf32>, vector<16xf32>, vector<16xf32>, vector<16xf32>, vector<16xf32>)  : i32 {
        %parallel_loop3A_361 = arith.index_cast %parallel_loop3A_352 : i32 to index
        %parallel_loop3A_362 = arith.constant 0 : index
        %parallel_loop3A_363 = tpu.vector_load %arg7[%parallel_loop3A_361, %parallel_loop3A_362] {strides = array<i32>} : memref<256x128xf32, #tpu.memory_space<vmem>>, vector<1x16xf32>,
        %parallel_loop3A_364 = vector.shape_cast %parallel_loop3A_363 : vector<1x16xf32> to vector<16xf32>
        %parallel_loop3A_365 = arith.maximumf %parallel_loop3A_353, %parallel_loop3A_364 : vector<16xf32>
        %parallel_loop3A_366 = arith.index_cast %parallel_loop3A_352 : i32 to index
        %parallel_loop3A_367 = arith.constant 16 : index
        %parallel_loop3A_368 = tpu.vector_load %arg7[%parallel_loop3A_366, %parallel_loop3A_367] {strides = array<i32>} : memref<256x128xf32, #tpu.memory_space<vmem>>, vector<1x16xf32>,
        %parallel_loop3A_369 = vector.shape_cast %parallel_loop3A_368 : vector<1x16xf32> to vector<16xf32>
        %parallel_loop3A_370 = arith.maximumf %parallel_loop3A_354, %parallel_loop3A_369 : vector<16xf32>
        %parallel_loop3A_371 = arith.index_cast %parallel_loop3A_352 : i32 to index
        %parallel_loop3A_372 = arith.constant 32 : index
        %parallel_loop3A_373 = tpu.vector_load %arg7[%parallel_loop3A_371, %parallel_loop3A_372] {strides = array<i32>} : memref<256x128xf32, #tpu.memory_space<vmem>>, vector<1x16xf32>,
        %parallel_loop3A_374 = vector.shape_cast %parallel_loop3A_373 : vector<1x16xf32> to vector<16xf32>
        %parallel_loop3A_375 = arith.maximumf %parallel_loop3A_355, %parallel_loop3A_374 : vector<16xf32>
        %parallel_loop3A_376 = arith.index_cast %parallel_loop3A_352 : i32 to index
        %parallel_loop3A_377 = arith.constant 48 : index
        %parallel_loop3A_378 = tpu.vector_load %arg7[%parallel_loop3A_376, %parallel_loop3A_377] {strides = array<i32>} : memref<256x128xf32, #tpu.memory_space<vmem>>, vector<1x16xf32>,
        %parallel_loop3A_379 = vector.shape_cast %parallel_loop3A_378 : vector<1x16xf32> to vector<16xf32>
        %parallel_loop3A_380 = arith.maximumf %parallel_loop3A_356, %parallel_loop3A_379 : vector<16xf32>
        %parallel_loop3A_381 = arith.index_cast %parallel_loop3A_352 : i32 to index
        %parallel_loop3A_382 = arith.constant 64 : index
        %parallel_loop3A_383 = tpu.vector_load %arg7[%parallel_loop3A_381, %parallel_loop3A_382] {strides = array<i32>} : memref<256x128xf32, #tpu.memory_space<vmem>>, vector<1x16xf32>,
        %parallel_loop3A_384 = vector.shape_cast %parallel_loop3A_383 : vector<1x16xf32> to vector<16xf32>
        %parallel_loop3A_385 = arith.maximumf %parallel_loop3A_357, %parallel_loop3A_384 : vector<16xf32>
        %parallel_loop3A_386 = arith.index_cast %parallel_loop3A_352 : i32 to index
        %parallel_loop3A_387 = arith.constant 80 : index
        %parallel_loop3A_388 = tpu.vector_load %arg7[%parallel_loop3A_386, %parallel_loop3A_387] {strides = array<i32>} : memref<256x128xf32, #tpu.memory_space<vmem>>, vector<1x16xf32>,
        %parallel_loop3A_389 = vector.shape_cast %parallel_loop3A_388 : vector<1x16xf32> to vector<16xf32>
        %parallel_loop3A_390 = arith.maximumf %parallel_loop3A_358, %parallel_loop3A_389 : vector<16xf32>
        %parallel_loop3A_391 = arith.index_cast %parallel_loop3A_352 : i32 to index
        %parallel_loop3A_392 = arith.constant 96 : index
        %parallel_loop3A_393 = tpu.vector_load %arg7[%parallel_loop3A_391, %parallel_loop3A_392] {strides = array<i32>} : memref<256x128xf32, #tpu.memory_space<vmem>>, vector<1x16xf32>,
        %parallel_loop3A_394 = vector.shape_cast %parallel_loop3A_393 : vector<1x16xf32> to vector<16xf32>
        %parallel_loop3A_395 = arith.maximumf %parallel_loop3A_359, %parallel_loop3A_394 : vector<16xf32>
        %parallel_loop3A_396 = arith.index_cast %parallel_loop3A_352 : i32 to index
        %parallel_loop3A_397 = arith.constant 112 : index
        %parallel_loop3A_398 = tpu.vector_load %arg7[%parallel_loop3A_396, %parallel_loop3A_397] {strides = array<i32>} : memref<256x128xf32, #tpu.memory_space<vmem>>, vector<1x16xf32>,
        %parallel_loop3A_399 = vector.shape_cast %parallel_loop3A_398 : vector<1x16xf32> to vector<16xf32>
        %parallel_loop3A_400 = arith.maximumf %parallel_loop3A_360, %parallel_loop3A_399 : vector<16xf32>
        scf.yield %parallel_loop3A_365, %parallel_loop3A_370, %parallel_loop3A_375, %parallel_loop3A_380, %parallel_loop3A_385, %parallel_loop3A_390, %parallel_loop3A_395, %parallel_loop3A_400 : vector<16xf32>, vector<16xf32>, vector<16xf32>, vector<16xf32>, vector<16xf32>, vector<16xf32>, vector<16xf32>, vector<16xf32>
      } {sc.loop_unroll_factor = 4 : i64, sc.parallel_access}
      %parallel_loop3A_348 = arith.constant 1 : i32
      %parallel_loop3A_349:8 = scf.for %parallel_loop3A_352 = %min3A_334 to %min3A_339 step %parallel_loop3A_348 iter_args(%parallel_loop3A_353 = %parallel_loop3A_313#0, %parallel_loop3A_354 = %parallel_loop3A_313#1, %parallel_loop3A_355 = %parallel_loop3A_313#2, %parallel_loop3A_356 = %parallel_loop3A_313#3, %parallel_loop3A_357 = %parallel_loop3A_313#4, %parallel_loop3A_358 = %parallel_loop3A_313#5, %parallel_loop3A_359 = %parallel_loop3A_313#6, %parallel_loop3A_360 = %parallel_loop3A_313#7) -> (vector<16xf32>, vector<16xf32>, vector<16xf32>, vector<16xf32>, vector<16xf32>, vector<16xf32>, vector<16xf32>, vector<16xf32>)  : i32 {
        %parallel_loop3A_361 = arith.index_cast %parallel_loop3A_352 : i32 to index
        %parallel_loop3A_362 = arith.constant 0 : index
        %parallel_loop3A_363 = tpu.vector_load %arg7[%parallel_loop3A_361, %parallel_loop3A_362] {strides = array<i32>} : memref<256x128xf32, #tpu.memory_space<vmem>>, vector<1x16xf32>,
        %parallel_loop3A_364 = vector.shape_cast %parallel_loop3A_363 : vector<1x16xf32> to vector<16xf32>
        %parallel_loop3A_365 = arith.maximumf %parallel_loop3A_353, %parallel_loop3A_364 : vector<16xf32>
        %parallel_loop3A_366 = arith.index_cast %parallel_loop3A_352 : i32 to index
        %parallel_loop3A_367 = arith.constant 16 : index
        %parallel_loop3A_368 = tpu.vector_load %arg7[%parallel_loop3A_366, %parallel_loop3A_367] {strides = array<i32>} : memref<256x128xf32, #tpu.memory_space<vmem>>, vector<1x16xf32>,
        %parallel_loop3A_369 = vector.shape_cast %parallel_loop3A_368 : vector<1x16xf32> to vector<16xf32>
        %parallel_loop3A_370 = arith.maximumf %parallel_loop3A_354, %parallel_loop3A_369 : vector<16xf32>
        %parallel_loop3A_371 = arith.index_cast %parallel_loop3A_352 : i32 to index
        %parallel_loop3A_372 = arith.constant 32 : index
        %parallel_loop3A_373 = tpu.vector_load %arg7[%parallel_loop3A_371, %parallel_loop3A_372] {strides = array<i32>} : memref<256x128xf32, #tpu.memory_space<vmem>>, vector<1x16xf32>,
        %parallel_loop3A_374 = vector.shape_cast %parallel_loop3A_373 : vector<1x16xf32> to vector<16xf32>
        %parallel_loop3A_375 = arith.maximumf %parallel_loop3A_355, %parallel_loop3A_374 : vector<16xf32>
        %parallel_loop3A_376 = arith.index_cast %parallel_loop3A_352 : i32 to index
        %parallel_loop3A_377 = arith.constant 48 : index
        %parallel_loop3A_378 = tpu.vector_load %arg7[%parallel_loop3A_376, %parallel_loop3A_377] {strides = array<i32>} : memref<256x128xf32, #tpu.memory_space<vmem>>, vector<1x16xf32>,
        %parallel_loop3A_379 = vector.shape_cast %parallel_loop3A_378 : vector<1x16xf32> to vector<16xf32>
        %parallel_loop3A_380 = arith.maximumf %parallel_loop3A_356, %parallel_loop3A_379 : vector<16xf32>
        %parallel_loop3A_381 = arith.index_cast %parallel_loop3A_352 : i32 to index
        %parallel_loop3A_382 = arith.constant 64 : index
        %parallel_loop3A_383 = tpu.vector_load %arg7[%parallel_loop3A_381, %parallel_loop3A_382] {strides = array<i32>} : memref<256x128xf32, #tpu.memory_space<vmem>>, vector<1x16xf32>,
        %parallel_loop3A_384 = vector.shape_cast %parallel_loop3A_383 : vector<1x16xf32> to vector<16xf32>
        %parallel_loop3A_385 = arith.maximumf %parallel_loop3A_357, %parallel_loop3A_384 : vector<16xf32>
        %parallel_loop3A_386 = arith.index_cast %parallel_loop3A_352 : i32 to index
        %parallel_loop3A_387 = arith.constant 80 : index
        %parallel_loop3A_388 = tpu.vector_load %arg7[%parallel_loop3A_386, %parallel_loop3A_387] {strides = array<i32>} : memref<256x128xf32, #tpu.memory_space<vmem>>, vector<1x16xf32>,
        %parallel_loop3A_389 = vector.shape_cast %parallel_loop3A_388 : vector<1x16xf32> to vector<16xf32>
        %parallel_loop3A_390 = arith.maximumf %parallel_loop3A_358, %parallel_loop3A_389 : vector<16xf32>
        %parallel_loop3A_391 = arith.index_cast %parallel_loop3A_352 : i32 to index
        %parallel_loop3A_392 = arith.constant 96 : index
        %parallel_loop3A_393 = tpu.vector_load %arg7[%parallel_loop3A_391, %parallel_loop3A_392] {strides = array<i32>} : memref<256x128xf32, #tpu.memory_space<vmem>>, vector<1x16xf32>,
        %parallel_loop3A_394 = vector.shape_cast %parallel_loop3A_393 : vector<1x16xf32> to vector<16xf32>
        %parallel_loop3A_395 = arith.maximumf %parallel_loop3A_359, %parallel_loop3A_394 : vector<16xf32>
        %parallel_loop3A_396 = arith.index_cast %parallel_loop3A_352 : i32 to index
        %parallel_loop3A_397 = arith.constant 112 : index
        %parallel_loop3A_398 = tpu.vector_load %arg7[%parallel_loop3A_396, %parallel_loop3A_397] {strides = array<i32>} : memref<256x128xf32, #tpu.memory_space<vmem>>, vector<1x16xf32>,
        %parallel_loop3A_399 = vector.shape_cast %parallel_loop3A_398 : vector<1x16xf32> to vector<16xf32>
        %parallel_loop3A_400 = arith.maximumf %parallel_loop3A_360, %parallel_loop3A_399 : vector<16xf32>
        scf.yield %parallel_loop3A_365, %parallel_loop3A_370, %parallel_loop3A_375, %parallel_loop3A_380, %parallel_loop3A_385, %parallel_loop3A_390, %parallel_loop3A_395, %parallel_loop3A_400 : vector<16xf32>, vector<16xf32>, vector<16xf32>, vector<16xf32>, vector<16xf32>, vector<16xf32>, vector<16xf32>, vector<16xf32>
      } {sc.loop_unroll_factor = 4 : i64, sc.parallel_access}
      %parallel_loop3A_350 = arith.constant 1 : i32
      %parallel_loop3A_351:8 = scf.for %parallel_loop3A_352 = %min3A_339 to %min3A_344 step %parallel_loop3A_350 iter_args(%parallel_loop3A_353 = %parallel_loop3A_315#0, %parallel_loop3A_354 = %parallel_loop3A_315#1, %parallel_loop3A_355 = %parallel_loop3A_315#2, %parallel_loop3A_356 = %parallel_loop3A_315#3, %parallel_loop3A_357 = %parallel_loop3A_315#4, %parallel_loop3A_358 = %parallel_loop3A_315#5, %parallel_loop3A_359 = %parallel_loop3A_315#6, %parallel_loop3A_360 = %parallel_loop3A_315#7) -> (vector<16xf32>, vector<16xf32>, vector<16xf32>, vector<16xf32>, vector<16xf32>, vector<16xf32>, vector<16xf32>, vector<16xf32>)  : i32 {
        %parallel_loop3A_361 = arith.index_cast %parallel_loop3A_352 : i32 to index
        %parallel_loop3A_362 = arith.constant 0 : index
        %parallel_loop3A_363 = tpu.vector_load %arg7[%parallel_loop3A_361, %parallel_loop3A_362] {strides = array<i32>} : memref<256x128xf32, #tpu.memory_space<vmem>>, vector<1x16xf32>,
        %parallel_loop3A_364 = vector.shape_cast %parallel_loop3A_363 : vector<1x16xf32> to vector<16xf32>
        %parallel_loop3A_365 = arith.maximumf %parallel_loop3A_353, %parallel_loop3A_364 : vector<16xf32>
        %parallel_loop3A_366 = arith.index_cast %parallel_loop3A_352 : i32 to index
        %parallel_loop3A_367 = arith.constant 16 : index
        %parallel_loop3A_368 = tpu.vector_load %arg7[%parallel_loop3A_366, %parallel_loop3A_367] {strides = array<i32>} : memref<256x128xf32, #tpu.memory_space<vmem>>, vector<1x16xf32>,
        %parallel_loop3A_369 = vector.shape_cast %parallel_loop3A_368 : vector<1x16xf32> to vector<16xf32>
        %parallel_loop3A_370 = arith.maximumf %parallel_loop3A_354, %parallel_loop3A_369 : vector<16xf32>
        %parallel_loop3A_371 = arith.index_cast %parallel_loop3A_352 : i32 to index
        %parallel_loop3A_372 = arith.constant 32 : index
        %parallel_loop3A_373 = tpu.vector_load %arg7[%parallel_loop3A_371, %parallel_loop3A_372] {strides = array<i32>} : memref<256x128xf32, #tpu.memory_space<vmem>>, vector<1x16xf32>,
        %parallel_loop3A_374 = vector.shape_cast %parallel_loop3A_373 : vector<1x16xf32> to vector<16xf32>
        %parallel_loop3A_375 = arith.maximumf %parallel_loop3A_355, %parallel_loop3A_374 : vector<16xf32>
        %parallel_loop3A_376 = arith.index_cast %parallel_loop3A_352 : i32 to index
        %parallel_loop3A_377 = arith.constant 48 : index
        %parallel_loop3A_378 = tpu.vector_load %arg7[%parallel_loop3A_376, %parallel_loop3A_377] {strides = array<i32>} : memref<256x128xf32, #tpu.memory_space<vmem>>, vector<1x16xf32>,
        %parallel_loop3A_379 = vector.shape_cast %parallel_loop3A_378 : vector<1x16xf32> to vector<16xf32>
        %parallel_loop3A_380 = arith.maximumf %parallel_loop3A_356, %parallel_loop3A_379 : vector<16xf32>
        %parallel_loop3A_381 = arith.index_cast %parallel_loop3A_352 : i32 to index
        %parallel_loop3A_382 = arith.constant 64 : index
        %parallel_loop3A_383 = tpu.vector_load %arg7[%parallel_loop3A_381, %parallel_loop3A_382] {strides = array<i32>} : memref<256x128xf32, #tpu.memory_space<vmem>>, vector<1x16xf32>,
        %parallel_loop3A_384 = vector.shape_cast %parallel_loop3A_383 : vector<1x16xf32> to vector<16xf32>
        %parallel_loop3A_385 = arith.maximumf %parallel_loop3A_357, %parallel_loop3A_384 : vector<16xf32>
        %parallel_loop3A_386 = arith.index_cast %parallel_loop3A_352 : i32 to index
        %parallel_loop3A_387 = arith.constant 80 : index
        %parallel_loop3A_388 = tpu.vector_load %arg7[%parallel_loop3A_386, %parallel_loop3A_387] {strides = array<i32>} : memref<256x128xf32, #tpu.memory_space<vmem>>, vector<1x16xf32>,
        %parallel_loop3A_389 = vector.shape_cast %parallel_loop3A_388 : vector<1x16xf32> to vector<16xf32>
        %parallel_loop3A_390 = arith.maximumf %parallel_loop3A_358, %parallel_loop3A_389 : vector<16xf32>
        %parallel_loop3A_391 = arith.index_cast %parallel_loop3A_352 : i32 to index
        %parallel_loop3A_392 = arith.constant 96 : index
        %parallel_loop3A_393 = tpu.vector_load %arg7[%parallel_loop3A_391, %parallel_loop3A_392] {strides = array<i32>} : memref<256x128xf32, #tpu.memory_space<vmem>>, vector<1x16xf32>,
        %parallel_loop3A_394 = vector.shape_cast %parallel_loop3A_393 : vector<1x16xf32> to vector<16xf32>
        %parallel_loop3A_395 = arith.maximumf %parallel_loop3A_359, %parallel_loop3A_394 : vector<16xf32>
        %parallel_loop3A_396 = arith.index_cast %parallel_loop3A_352 : i32 to index
        %parallel_loop3A_397 = arith.constant 112 : index
        %parallel_loop3A_398 = tpu.vector_load %arg7[%parallel_loop3A_396, %parallel_loop3A_397] {strides = array<i32>} : memref<256x128xf32, #tpu.memory_space<vmem>>, vector<1x16xf32>,
        %parallel_loop3A_399 = vector.shape_cast %parallel_loop3A_398 : vector<1x16xf32> to vector<16xf32>
        %parallel_loop3A_400 = arith.maximumf %parallel_loop3A_360, %parallel_loop3A_399 : vector<16xf32>
        scf.yield %parallel_loop3A_365, %parallel_loop3A_370, %parallel_loop3A_375, %parallel_loop3A_380, %parallel_loop3A_385, %parallel_loop3A_390, %parallel_loop3A_395, %parallel_loop3A_400 : vector<16xf32>, vector<16xf32>, vector<16xf32>, vector<16xf32>, vector<16xf32>, vector<16xf32>, vector<16xf32>, vector<16xf32>
      } {sc.loop_unroll_factor = 4 : i64, sc.parallel_access}
      scf.yield %parallel_loop3A_347#0, %parallel_loop3A_347#1, %parallel_loop3A_347#2, %parallel_loop3A_347#3, %parallel_loop3A_347#4, %parallel_loop3A_347#5, %parallel_loop3A_347#6, %parallel_loop3A_347#7, %parallel_loop3A_349#0, %parallel_loop3A_349#1, %parallel_loop3A_349#2, %parallel_loop3A_349#3, %parallel_loop3A_349#4, %parallel_loop3A_349#5, %parallel_loop3A_349#6, %parallel_loop3A_349#7, %parallel_loop3A_351#0, %parallel_loop3A_351#1, %parallel_loop3A_351#2, %parallel_loop3A_351#3, %parallel_loop3A_351#4, %parallel_loop3A_351#5, %parallel_loop3A_351#6, %parallel_loop3A_351#7 : vector<16xf32>, vector<16xf32>, vector<16xf32>, vector<16xf32>, vector<16xf32>, vector<16xf32>, vector<16xf32>, vector<16xf32>, vector<16xf32>, vector<16xf32>, vector<16xf32>, vector<16xf32>, vector<16xf32>, vector<16xf32>, vector<16xf32>, vector<16xf32>, vector<16xf32>, vector<16xf32>, vector<16xf32>, vector<16xf32>, vector<16xf32>, vector<16xf32>, vector<16xf32>, vector<16xf32>
    }
    %swap3A = arith.constant 0 : i32
    %swap3A_109 = arith.index_cast %swap3A : i32 to index
    %swap3A_110 = arith.constant 0 : index
    %swap3A_111 = tpu.vector_load %arg8[%swap3A_109, %swap3A_110] {strides = array<i32>} : memref<3x128xf32, #tpu.memory_space<vmem>>, vector<1x16xf32>,
    %swap3A_112 = vector.shape_cast %swap3A_111 : vector<1x16xf32> to vector<16xf32>
    %swap3A_113 = vector.shape_cast %while3A_108#0 : vector<16xf32> to vector<1x16xf32>
    tpu.vector_store %arg8[%swap3A_109, %swap3A_110], %swap3A_113 {strides = array<i32>} : memref<3x128xf32, #tpu.memory_space<vmem>>, vector<1x16xf32>,
    %swap3A_114 = arith.constant 0 : i32
    %swap3A_115 = arith.index_cast %swap3A_114 : i32 to index
    %swap3A_116 = arith.constant 16 : index
    %swap3A_117 = tpu.vector_load %arg8[%swap3A_115, %swap3A_116] {strides = array<i32>} : memref<3x128xf32, #tpu.memory_space<vmem>>, vector<1x16xf32>,
    %swap3A_118 = vector.shape_cast %swap3A_117 : vector<1x16xf32> to vector<16xf32>
    %swap3A_119 = vector.shape_cast %while3A_108#1 : vector<16xf32> to vector<1x16xf32>
    tpu.vector_store %arg8[%swap3A_115, %swap3A_116], %swap3A_119 {strides = array<i32>} : memref<3x128xf32, #tpu.memory_space<vmem>>, vector<1x16xf32>,
    %swap3A_120 = arith.constant 0 : i32
    %swap3A_121 = arith.index_cast %swap3A_120 : i32 to index
    %swap3A_122 = arith.constant 32 : index
    %swap3A_123 = tpu.vector_load %arg8[%swap3A_121, %swap3A_122] {strides = array<i32>} : memref<3x128xf32, #tpu.memory_space<vmem>>, vector<1x16xf32>,
    %swap3A_124 = vector.shape_cast %swap3A_123 : vector<1x16xf32> to vector<16xf32>
    %swap3A_125 = vector.shape_cast %while3A_108#2 : vector<16xf32> to vector<1x16xf32>
    tpu.vector_store %arg8[%swap3A_121, %swap3A_122], %swap3A_125 {strides = array<i32>} : memref<3x128xf32, #tpu.memory_space<vmem>>, vector<1x16xf32>,
    %swap3A_126 = arith.constant 0 : i32
    %swap3A_127 = arith.index_cast %swap3A_126 : i32 to index
    %swap3A_128 = arith.constant 48 : index
    %swap3A_129 = tpu.vector_load %arg8[%swap3A_127, %swap3A_128] {strides = array<i32>} : memref<3x128xf32, #tpu.memory_space<vmem>>, vector<1x16xf32>,
    %swap3A_130 = vector.shape_cast %swap3A_129 : vector<1x16xf32> to vector<16xf32>
    %swap3A_131 = vector.shape_cast %while3A_108#3 : vector<16xf32> to vector<1x16xf32>
    tpu.vector_store %arg8[%swap3A_127, %swap3A_128], %swap3A_131 {strides = array<i32>} : memref<3x128xf32, #tpu.memory_space<vmem>>, vector<1x16xf32>,
    %swap3A_132 = arith.constant 0 : i32
    %swap3A_133 = arith.index_cast %swap3A_132 : i32 to index
    %swap3A_134 = arith.constant 64 : index
    %swap3A_135 = tpu.vector_load %arg8[%swap3A_133, %swap3A_134] {strides = array<i32>} : memref<3x128xf32, #tpu.memory_space<vmem>>, vector<1x16xf32>,
    %swap3A_136 = vector.shape_cast %swap3A_135 : vector<1x16xf32> to vector<16xf32>
    %swap3A_137 = vector.shape_cast %while3A_108#4 : vector<16xf32> to vector<1x16xf32>
    tpu.vector_store %arg8[%swap3A_133, %swap3A_134], %swap3A_137 {strides = array<i32>} : memref<3x128xf32, #tpu.memory_space<vmem>>, vector<1x16xf32>,
    %swap3A_138 = arith.constant 0 : i32
    %swap3A_139 = arith.index_cast %swap3A_138 : i32 to index
    %swap3A_140 = arith.constant 80 : index
    %swap3A_141 = tpu.vector_load %arg8[%swap3A_139, %swap3A_140] {strides = array<i32>} : memref<3x128xf32, #tpu.memory_space<vmem>>, vector<1x16xf32>,
    %swap3A_142 = vector.shape_cast %swap3A_141 : vector<1x16xf32> to vector<16xf32>
    %swap3A_143 = vector.shape_cast %while3A_108#5 : vector<16xf32> to vector<1x16xf32>
    tpu.vector_store %arg8[%swap3A_139, %swap3A_140], %swap3A_143 {strides = array<i32>} : memref<3x128xf32, #tpu.memory_space<vmem>>, vector<1x16xf32>,
    %swap3A_144 = arith.constant 0 : i32
    %swap3A_145 = arith.index_cast %swap3A_144 : i32 to index
    %swap3A_146 = arith.constant 96 : index
    %swap3A_147 = tpu.vector_load %arg8[%swap3A_145, %swap3A_146] {strides = array<i32>} : memref<3x128xf32, #tpu.memory_space<vmem>>, vector<1x16xf32>,
    %swap3A_148 = vector.shape_cast %swap3A_147 : vector<1x16xf32> to vector<16xf32>
    %swap3A_149 = vector.shape_cast %while3A_108#6 : vector<16xf32> to vector<1x16xf32>
    tpu.vector_store %arg8[%swap3A_145, %swap3A_146], %swap3A_149 {strides = array<i32>} : memref<3x128xf32, #tpu.memory_space<vmem>>, vector<1x16xf32>,
    %swap3A_150 = arith.constant 0 : i32
    %swap3A_151 = arith.index_cast %swap3A_150 : i32 to index
    %swap3A_152 = arith.constant 112 : index
    %swap3A_153 = tpu.vector_load %arg8[%swap3A_151, %swap3A_152] {strides = array<i32>} : memref<3x128xf32, #tpu.memory_space<vmem>>, vector<1x16xf32>,
    %swap3A_154 = vector.shape_cast %swap3A_153 : vector<1x16xf32> to vector<16xf32>
    %swap3A_155 = vector.shape_cast %while3A_108#7 : vector<16xf32> to vector<1x16xf32>
    tpu.vector_store %arg8[%swap3A_151, %swap3A_152], %swap3A_155 {strides = array<i32>} : memref<3x128xf32, #tpu.memory_space<vmem>>, vector<1x16xf32>,
    %swap3A_156 = arith.constant 1 : i32
    %swap3A_157 = arith.index_cast %swap3A_156 : i32 to index
    %swap3A_158 = arith.constant 0 : index
    %swap3A_159 = tpu.vector_load %arg8[%swap3A_157, %swap3A_158] {strides = array<i32>} : memref<3x128xf32, #tpu.memory_space<vmem>>, vector<1x16xf32>,
    %swap3A_160 = vector.shape_cast %swap3A_159 : vector<1x16xf32> to vector<16xf32>
    %swap3A_161 = vector.shape_cast %while3A_108#8 : vector<16xf32> to vector<1x16xf32>
    tpu.vector_store %arg8[%swap3A_157, %swap3A_158], %swap3A_161 {strides = array<i32>} : memref<3x128xf32, #tpu.memory_space<vmem>>, vector<1x16xf32>,
    %swap3A_162 = arith.constant 1 : i32
    %swap3A_163 = arith.index_cast %swap3A_162 : i32 to index
    %swap3A_164 = arith.constant 16 : index
    %swap3A_165 = tpu.vector_load %arg8[%swap3A_163, %swap3A_164] {strides = array<i32>} : memref<3x128xf32, #tpu.memory_space<vmem>>, vector<1x16xf32>,
    %swap3A_166 = vector.shape_cast %swap3A_165 : vector<1x16xf32> to vector<16xf32>
    %swap3A_167 = vector.shape_cast %while3A_108#9 : vector<16xf32> to vector<1x16xf32>
    tpu.vector_store %arg8[%swap3A_163, %swap3A_164], %swap3A_167 {strides = array<i32>} : memref<3x128xf32, #tpu.memory_space<vmem>>, vector<1x16xf32>,
    %swap3A_168 = arith.constant 1 : i32
    %swap3A_169 = arith.index_cast %swap3A_168 : i32 to index
    %swap3A_170 = arith.constant 32 : index
    %swap3A_171 = tpu.vector_load %arg8[%swap3A_169, %swap3A_170] {strides = array<i32>} : memref<3x128xf32, #tpu.memory_space<vmem>>, vector<1x16xf32>,
    %swap3A_172 = vector.shape_cast %swap3A_171 : vector<1x16xf32> to vector<16xf32>
    %swap3A_173 = vector.shape_cast %while3A_108#10 : vector<16xf32> to vector<1x16xf32>
    tpu.vector_store %arg8[%swap3A_169, %swap3A_170], %swap3A_173 {strides = array<i32>} : memref<3x128xf32, #tpu.memory_space<vmem>>, vector<1x16xf32>,
    %swap3A_174 = arith.constant 1 : i32
    %swap3A_175 = arith.index_cast %swap3A_174 : i32 to index
    %swap3A_176 = arith.constant 48 : index
    %swap3A_177 = tpu.vector_load %arg8[%swap3A_175, %swap3A_176] {strides = array<i32>} : memref<3x128xf32, #tpu.memory_space<vmem>>, vector<1x16xf32>,
    %swap3A_178 = vector.shape_cast %swap3A_177 : vector<1x16xf32> to vector<16xf32>
    %swap3A_179 = vector.shape_cast %while3A_108#11 : vector<16xf32> to vector<1x16xf32>
    tpu.vector_store %arg8[%swap3A_175, %swap3A_176], %swap3A_179 {strides = array<i32>} : memref<3x128xf32, #tpu.memory_space<vmem>>, vector<1x16xf32>,
    %swap3A_180 = arith.constant 1 : i32
    %swap3A_181 = arith.index_cast %swap3A_180 : i32 to index
    %swap3A_182 = arith.constant 64 : index
    %swap3A_183 = tpu.vector_load %arg8[%swap3A_181, %swap3A_182] {strides = array<i32>} : memref<3x128xf32, #tpu.memory_space<vmem>>, vector<1x16xf32>,
    %swap3A_184 = vector.shape_cast %swap3A_183 : vector<1x16xf32> to vector<16xf32>
    %swap3A_185 = vector.shape_cast %while3A_108#12 : vector<16xf32> to vector<1x16xf32>
    tpu.vector_store %arg8[%swap3A_181, %swap3A_182], %swap3A_185 {strides = array<i32>} : memref<3x128xf32, #tpu.memory_space<vmem>>, vector<1x16xf32>,
    %swap3A_186 = arith.constant 1 : i32
    %swap3A_187 = arith.index_cast %swap3A_186 : i32 to index
    %swap3A_188 = arith.constant 80 : index
    %swap3A_189 = tpu.vector_load %arg8[%swap3A_187, %swap3A_188] {strides = array<i32>} : memref<3x128xf32, #tpu.memory_space<vmem>>, vector<1x16xf32>,
    %swap3A_190 = vector.shape_cast %swap3A_189 : vector<1x16xf32> to vector<16xf32>
    %swap3A_191 = vector.shape_cast %while3A_108#13 : vector<16xf32> to vector<1x16xf32>
    tpu.vector_store %arg8[%swap3A_187, %swap3A_188], %swap3A_191 {strides = array<i32>} : memref<3x128xf32, #tpu.memory_space<vmem>>, vector<1x16xf32>,
    %swap3A_192 = arith.constant 1 : i32
    %swap3A_193 = arith.index_cast %swap3A_192 : i32 to index
    %swap3A_194 = arith.constant 96 : index
    %swap3A_195 = tpu.vector_load %arg8[%swap3A_193, %swap3A_194] {strides = array<i32>} : memref<3x128xf32, #tpu.memory_space<vmem>>, vector<1x16xf32>,
    %swap3A_196 = vector.shape_cast %swap3A_195 : vector<1x16xf32> to vector<16xf32>
    %swap3A_197 = vector.shape_cast %while3A_108#14 : vector<16xf32> to vector<1x16xf32>
    tpu.vector_store %arg8[%swap3A_193, %swap3A_194], %swap3A_197 {strides = array<i32>} : memref<3x128xf32, #tpu.memory_space<vmem>>, vector<1x16xf32>,
    %swap3A_198 = arith.constant 1 : i32
    %swap3A_199 = arith.index_cast %swap3A_198 : i32 to index
    %swap3A_200 = arith.constant 112 : index
    %swap3A_201 = tpu.vector_load %arg8[%swap3A_199, %swap3A_200] {strides = array<i32>} : memref<3x128xf32, #tpu.memory_space<vmem>>, vector<1x16xf32>,
    %swap3A_202 = vector.shape_cast %swap3A_201 : vector<1x16xf32> to vector<16xf32>
    %swap3A_203 = vector.shape_cast %while3A_108#15 : vector<16xf32> to vector<1x16xf32>
    tpu.vector_store %arg8[%swap3A_199, %swap3A_200], %swap3A_203 {strides = array<i32>} : memref<3x128xf32, #tpu.memory_space<vmem>>, vector<1x16xf32>,
    %swap3A_204 = arith.constant 2 : i32
    %swap3A_205 = arith.index_cast %swap3A_204 : i32 to index
    %swap3A_206 = arith.constant 0 : index
    %swap3A_207 = tpu.vector_load %arg8[%swap3A_205, %swap3A_206] {strides = array<i32>} : memref<3x128xf32, #tpu.memory_space<vmem>>, vector<1x16xf32>,
    %swap3A_208 = vector.shape_cast %swap3A_207 : vector<1x16xf32> to vector<16xf32>
    %swap3A_209 = vector.shape_cast %while3A_108#16 : vector<16xf32> to vector<1x16xf32>
    tpu.vector_store %arg8[%swap3A_205, %swap3A_206], %swap3A_209 {strides = array<i32>} : memref<3x128xf32, #tpu.memory_space<vmem>>, vector<1x16xf32>,
    %swap3A_210 = arith.constant 2 : i32
    %swap3A_211 = arith.index_cast %swap3A_210 : i32 to index
    %swap3A_212 = arith.constant 16 : index
    %swap3A_213 = tpu.vector_load %arg8[%swap3A_211, %swap3A_212] {strides = array<i32>} : memref<3x128xf32, #tpu.memory_space<vmem>>, vector<1x16xf32>,
    %swap3A_214 = vector.shape_cast %swap3A_213 : vector<1x16xf32> to vector<16xf32>
    %swap3A_215 = vector.shape_cast %while3A_108#17 : vector<16xf32> to vector<1x16xf32>
    tpu.vector_store %arg8[%swap3A_211, %swap3A_212], %swap3A_215 {strides = array<i32>} : memref<3x128xf32, #tpu.memory_space<vmem>>, vector<1x16xf32>,
    %swap3A_216 = arith.constant 2 : i32
    %swap3A_217 = arith.index_cast %swap3A_216 : i32 to index
    %swap3A_218 = arith.constant 32 : index
    %swap3A_219 = tpu.vector_load %arg8[%swap3A_217, %swap3A_218] {strides = array<i32>} : memref<3x128xf32, #tpu.memory_space<vmem>>, vector<1x16xf32>,
    %swap3A_220 = vector.shape_cast %swap3A_219 : vector<1x16xf32> to vector<16xf32>
    %swap3A_221 = vector.shape_cast %while3A_108#18 : vector<16xf32> to vector<1x16xf32>
    tpu.vector_store %arg8[%swap3A_217, %swap3A_218], %swap3A_221 {strides = array<i32>} : memref<3x128xf32, #tpu.memory_space<vmem>>, vector<1x16xf32>,
    %swap3A_222 = arith.constant 2 : i32
    %swap3A_223 = arith.index_cast %swap3A_222 : i32 to index
    %swap3A_224 = arith.constant 48 : index
    %swap3A_225 = tpu.vector_load %arg8[%swap3A_223, %swap3A_224] {strides = array<i32>} : memref<3x128xf32, #tpu.memory_space<vmem>>, vector<1x16xf32>,
    %swap3A_226 = vector.shape_cast %swap3A_225 : vector<1x16xf32> to vector<16xf32>
    %swap3A_227 = vector.shape_cast %while3A_108#19 : vector<16xf32> to vector<1x16xf32>
    tpu.vector_store %arg8[%swap3A_223, %swap3A_224], %swap3A_227 {strides = array<i32>} : memref<3x128xf32, #tpu.memory_space<vmem>>, vector<1x16xf32>,
    %swap3A_228 = arith.constant 2 : i32
    %swap3A_229 = arith.index_cast %swap3A_228 : i32 to index
    %swap3A_230 = arith.constant 64 : index
    %swap3A_231 = tpu.vector_load %arg8[%swap3A_229, %swap3A_230] {strides = array<i32>} : memref<3x128xf32, #tpu.memory_space<vmem>>, vector<1x16xf32>,
    %swap3A_232 = vector.shape_cast %swap3A_231 : vector<1x16xf32> to vector<16xf32>
    %swap3A_233 = vector.shape_cast %while3A_108#20 : vector<16xf32> to vector<1x16xf32>
    tpu.vector_store %arg8[%swap3A_229, %swap3A_230], %swap3A_233 {strides = array<i32>} : memref<3x128xf32, #tpu.memory_space<vmem>>, vector<1x16xf32>,
    %swap3A_234 = arith.constant 2 : i32
    %swap3A_235 = arith.index_cast %swap3A_234 : i32 to index
    %swap3A_236 = arith.constant 80 : index
    %swap3A_237 = tpu.vector_load %arg8[%swap3A_235, %swap3A_236] {strides = array<i32>} : memref<3x128xf32, #tpu.memory_space<vmem>>, vector<1x16xf32>,
    %swap3A_238 = vector.shape_cast %swap3A_237 : vector<1x16xf32> to vector<16xf32>
    %swap3A_239 = vector.shape_cast %while3A_108#21 : vector<16xf32> to vector<1x16xf32>
    tpu.vector_store %arg8[%swap3A_235, %swap3A_236], %swap3A_239 {strides = array<i32>} : memref<3x128xf32, #tpu.memory_space<vmem>>, vector<1x16xf32>,
    %swap3A_240 = arith.constant 2 : i32
    %swap3A_241 = arith.index_cast %swap3A_240 : i32 to index
    %swap3A_242 = arith.constant 96 : index
    %swap3A_243 = tpu.vector_load %arg8[%swap3A_241, %swap3A_242] {strides = array<i32>} : memref<3x128xf32, #tpu.memory_space<vmem>>, vector<1x16xf32>,
    %swap3A_244 = vector.shape_cast %swap3A_243 : vector<1x16xf32> to vector<16xf32>
    %swap3A_245 = vector.shape_cast %while3A_108#22 : vector<16xf32> to vector<1x16xf32>
    tpu.vector_store %arg8[%swap3A_241, %swap3A_242], %swap3A_245 {strides = array<i32>} : memref<3x128xf32, #tpu.memory_space<vmem>>, vector<1x16xf32>,
    %swap3A_246 = arith.constant 2 : i32
    %swap3A_247 = arith.index_cast %swap3A_246 : i32 to index
    %swap3A_248 = arith.constant 112 : index
    %swap3A_249 = tpu.vector_load %arg8[%swap3A_247, %swap3A_248] {strides = array<i32>} : memref<3x128xf32, #tpu.memory_space<vmem>>, vector<1x16xf32>,
    %swap3A_250 = vector.shape_cast %swap3A_249 : vector<1x16xf32> to vector<16xf32>
    %swap3A_251 = vector.shape_cast %while3A_108#23 : vector<16xf32> to vector<1x16xf32>
    tpu.vector_store %arg8[%swap3A_247, %swap3A_248], %swap3A_251 {strides = array<i32>} : memref<3x128xf32, #tpu.memory_space<vmem>>, vector<1x16xf32>,
    "tpu.region"() ({
      %run_scoped3A = tpu.sem_alloc : memref<!tpu.dma_semaphore, #tpu.memory_space<semaphore_mem>>
      %dma_start3A = arith.constant 0 : i32
      %dma_start3A_252 = tpu.memref_slice %arg4[%select_n3A, %dma_start3A, %mul3A_32] : memref<16x3x256xf32, #tpu.memory_space<hbm>> -> memref<1x3x128xf32, #tpu.memory_space<hbm>>
      %dma_start3A_253 = tpu.memref_squeeze %dma_start3A_252 : memref<1x3x128xf32, #tpu.memory_space<hbm>> -> memref<3x128xf32, #tpu.memory_space<hbm>>
      %dma_start3A_254 = arith.constant 0 : i32
      %dma_start3A_255 = tpu.memref_slice %arg4[%select_n3A, %dma_start3A_254, %mul3A_32] : memref<16x3x256xf32, #tpu.memory_space<hbm>> -> memref<1x3x128xf32, #tpu.memory_space<hbm>>
      %dma_start3A_256 = tpu.memref_squeeze %dma_start3A_255 : memref<1x3x128xf32, #tpu.memory_space<hbm>> -> memref<3x128xf32, #tpu.memory_space<hbm>>
      tpu.enqueue_dma source(%arg8 : memref<3x128xf32, #tpu.memory_space<vmem>>) target(%dma_start3A_256 : memref<3x128xf32, #tpu.memory_space<hbm>>) target_semaphore(%run_scoped3A : memref<!tpu.dma_semaphore, #tpu.memory_space<semaphore_mem>>)
      %dma_wait3A = arith.constant 0 : i32
      %dma_wait3A_257 = tpu.memref_slice %arg4[%select_n3A, %dma_wait3A, %mul3A_32] : memref<16x3x256xf32, #tpu.memory_space<hbm>> -> memref<1x3x128xf32, #tpu.memory_space<hbm>>
      %dma_wait3A_258 = tpu.memref_squeeze %dma_wait3A_257 : memref<1x3x128xf32, #tpu.memory_space<hbm>> -> memref<3x128xf32, #tpu.memory_space<hbm>>
      %dma_wait3A_259 = arith.constant 0 : i32
      %dma_wait3A_260 = tpu.memref_slice %arg4[%select_n3A, %dma_wait3A_259, %mul3A_32] : memref<16x3x256xf32, #tpu.memory_space<hbm>> -> memref<1x3x128xf32, #tpu.memory_space<hbm>>
      %dma_wait3A_261 = tpu.memref_squeeze %dma_wait3A_260 : memref<1x3x128xf32, #tpu.memory_space<hbm>> -> memref<3x128xf32, #tpu.memory_space<hbm>>
      tpu.wait_dma2 semaphore(%run_scoped3A : memref<!tpu.dma_semaphore, #tpu.memory_space<semaphore_mem>>) src(%arg8 : memref<3x128xf32, #tpu.memory_space<vmem>>) dst(%dma_wait3A_261 : memref<3x128xf32, #tpu.memory_space<hbm>>)
      tpu.yield
    }) : () -> ()
    return
  }
}

module attributes {stable_mosaic.version = 14 : i64} {
  func.func @_tc_body(%arg0: i32, %arg1: i32, %arg2: memref<16x3xi32, #tpu.memory_space<smem>>, %arg3: memref<1x1536x256xf32, #tpu.memory_space<vmem>>, %arg4: memref<1x8x256xf32, #tpu.memory_space<vmem>>) attributes {dimension_semantics = [#tpu.dimension_semantics<arbitrary>, #tpu.dimension_semantics<arbitrary>], iteration_bounds = array<i64: 16, 1>, scalar_prefetch = 1 : i64, scratch_operands = 0 : i64, tpu.core_type = #tpu.core_type<tc>, window_params = [{transform_indices = @transform_0, window_bounds = array<i64: 1, 1536, 256>}, {transform_indices = @transform_1, window_bounds = array<i64: 1, 8, 256>}]} {
    %eq3A = arith.constant 0 : i32
    %eq3A_0 = arith.cmpi eq, %arg1, %eq3A : i32
    %convert_element_type3A = arith.extui %eq3A_0 : i1 to i32
    %cond3A = arith.constant 0 : i32
    %cond3A_1 = arith.cmpi ne, %convert_element_type3A, %cond3A : i32
    scf.if %cond3A_1 {
      %broadcast_in_dim3A_66 = arith.constant 0xFF800000 : f32
      %broadcast_in_dim3A_67 = vector.broadcast %broadcast_in_dim3A_66 : f32 to vector<1x8x256xf32>
      %swap3A_68 = arith.constant 0 : index
      %swap3A_69 = arith.constant 0 : index
      %swap3A_70 = arith.constant 0 : index
      %swap3A_71 = vector.load %arg4[%swap3A_68, %swap3A_69, %swap3A_70] : memref<1x8x256xf32, #tpu.memory_space<vmem>>, vector<1x8x256xf32>
      tpu.vector_store %arg4[%swap3A_68, %swap3A_69, %swap3A_70], %broadcast_in_dim3A_67 {strides = array<i32>} : memref<1x8x256xf32, #tpu.memory_space<vmem>>, vector<1x8x256xf32>,
    } else {
    }
    %get3A = arith.index_cast %arg0 : i32 to index
    %get3A_2 = arith.constant 0 : index
    %get3A_3 = memref.load %arg2[%get3A, %get3A_2] : memref<16x3xi32, #tpu.memory_space<smem>>
    %get3A_4 = arith.index_cast %arg0 : i32 to index
    %get3A_5 = arith.constant 1 : index
    %get3A_6 = memref.load %arg2[%get3A_4, %get3A_5] : memref<16x3xi32, #tpu.memory_space<smem>>
    %get3A_7 = arith.index_cast %arg0 : i32 to index
    %get3A_8 = arith.constant 2 : index
    %get3A_9 = memref.load %arg2[%get3A_7, %get3A_8] : memref<16x3xi32, #tpu.memory_space<smem>>
    %mul3A = arith.constant 1536 : i32
    %mul3A_10 = arith.muli %arg1, %mul3A : i32
    %iota3A = tpu.iota {dimensions = array<i32: 0>} : vector<1536x1xi32>
    %add3A = vector.broadcast %mul3A_10 : i32 to vector<1536x1xi32>
    %add3A_11 = arith.addi %add3A, %iota3A : vector<1536x1xi32>
    %get3A_12 = arith.constant 0 : index
    %get3A_13 = arith.constant 0 : index
    %get3A_14 = arith.constant 0 : index
    %get3A_15 = vector.load %arg3[%get3A_12, %get3A_13, %get3A_14] : memref<1x1536x256xf32, #tpu.memory_space<vmem>>, vector<1x1536x256xf32>
    %get3A_16 = vector.shape_cast %get3A_15 : vector<1x1536x256xf32> to vector<1536x256xf32>
    %ge3A = vector.broadcast %get3A_3 : i32 to vector<1536x1xi32>
    %ge3A_17 = arith.cmpi sge, %add3A_11, %ge3A : vector<1536x1xi32>
    %convert_element_type3A_18 = arith.extui %ge3A_17 : vector<1536x1xi1> to vector<1536x1xi32>
    %ge3A_19 = vector.broadcast %get3A_6 : i32 to vector<1536x1xi32>
    %ge3A_20 = arith.cmpi sge, %add3A_11, %ge3A_19 : vector<1536x1xi32>
    %convert_element_type3A_21 = arith.extui %ge3A_20 : vector<1536x1xi1> to vector<1536x1xi32>
    %add3A_22 = arith.addi %convert_element_type3A_18, %convert_element_type3A_21 : vector<1536x1xi32>
    %ge3A_23 = vector.broadcast %get3A_9 : i32 to vector<1536x1xi32>
    %ge3A_24 = arith.cmpi sge, %add3A_11, %ge3A_23 : vector<1536x1xi32>
    %convert_element_type3A_25 = arith.extui %ge3A_24 : vector<1536x1xi1> to vector<1536x1xi32>
    %add3A_26 = arith.addi %add3A_22, %convert_element_type3A_25 : vector<1536x1xi32>
    %eq3A_27 = arith.constant 0 : i32
    %eq3A_28 = vector.broadcast %eq3A_27 : i32 to vector<1536x1xi32>
    %eq3A_29 = arith.cmpi eq, %add3A_26, %eq3A_28 : vector<1536x1xi32>
    %jit3A = arith.constant 0xFF800000 : f32
    %broadcast_in_dim3A = vector.shape_cast %eq3A_29 : vector<1536x1xi1> to vector<1536x1xi1>
    %broadcast_in_dim3A_30 = vector.broadcast %broadcast_in_dim3A : vector<1536x1xi1> to vector<1536x256xi1>
    %broadcast_in_dim3A_31 = vector.broadcast %jit3A : f32 to vector<1536x256xf32>
    %select_n3A = arith.select %broadcast_in_dim3A_30, %get3A_16, %broadcast_in_dim3A_31 : vector<1536x256xi1>, vector<1536x256xf32>
    %reduce_max3A = arith.constant dense<0xFF800000> : vector<256xf32>
    %reduce_max3A_32 = vector.multi_reduction <maximumf>, %select_n3A, %reduce_max3A [0] : vector<1536x256xf32> to vector<256xf32>
    %broadcast_in_dim3A_33 = vector.shape_cast %reduce_max3A_32 : vector<256xf32> to vector<1x256xf32>
    %eq3A_34 = arith.constant 1 : i32
    %eq3A_35 = vector.broadcast %eq3A_34 : i32 to vector<1536x1xi32>
    %eq3A_36 = arith.cmpi eq, %add3A_26, %eq3A_35 : vector<1536x1xi32>
    %jit3A_37 = arith.constant 0xFF800000 : f32
    %broadcast_in_dim3A_38 = vector.shape_cast %eq3A_36 : vector<1536x1xi1> to vector<1536x1xi1>
    %broadcast_in_dim3A_39 = vector.broadcast %broadcast_in_dim3A_38 : vector<1536x1xi1> to vector<1536x256xi1>
    %broadcast_in_dim3A_40 = vector.broadcast %jit3A_37 : f32 to vector<1536x256xf32>
    %select_n3A_41 = arith.select %broadcast_in_dim3A_39, %get3A_16, %broadcast_in_dim3A_40 : vector<1536x256xi1>, vector<1536x256xf32>
    %reduce_max3A_42 = arith.constant dense<0xFF800000> : vector<256xf32>
    %reduce_max3A_43 = vector.multi_reduction <maximumf>, %select_n3A_41, %reduce_max3A_42 [0] : vector<1536x256xf32> to vector<256xf32>
    %broadcast_in_dim3A_44 = vector.shape_cast %reduce_max3A_43 : vector<256xf32> to vector<1x256xf32>
    %eq3A_45 = arith.constant 2 : i32
    %eq3A_46 = vector.broadcast %eq3A_45 : i32 to vector<1536x1xi32>
    %eq3A_47 = arith.cmpi eq, %add3A_26, %eq3A_46 : vector<1536x1xi32>
    %jit3A_48 = arith.constant 0xFF800000 : f32
    %broadcast_in_dim3A_49 = vector.shape_cast %eq3A_47 : vector<1536x1xi1> to vector<1536x1xi1>
    %broadcast_in_dim3A_50 = vector.broadcast %broadcast_in_dim3A_49 : vector<1536x1xi1> to vector<1536x256xi1>
    %broadcast_in_dim3A_51 = vector.broadcast %jit3A_48 : f32 to vector<1536x256xf32>
    %select_n3A_52 = arith.select %broadcast_in_dim3A_50, %get3A_16, %broadcast_in_dim3A_51 : vector<1536x256xi1>, vector<1536x256xf32>
    %reduce_max3A_53 = arith.constant dense<0xFF800000> : vector<256xf32>
    %reduce_max3A_54 = vector.multi_reduction <maximumf>, %select_n3A_52, %reduce_max3A_53 [0] : vector<1536x256xf32> to vector<256xf32>
    %broadcast_in_dim3A_55 = vector.shape_cast %reduce_max3A_54 : vector<256xf32> to vector<1x256xf32>
    %concatenate3A = tpu.concatenate %broadcast_in_dim3A_33, %broadcast_in_dim3A_44, %broadcast_in_dim3A_55 in 0 : vector<1x256xf32>, vector<1x256xf32>, vector<1x256xf32> -> vector<3x256xf32>
    %get3A_56 = arith.constant 0 : index
    %get3A_57 = arith.constant 0 : index
    %get3A_58 = arith.constant 0 : index
    %get3A_59 = vector.load %arg4[%get3A_56, %get3A_57, %get3A_58] : memref<1x8x256xf32, #tpu.memory_space<vmem>>, vector<1x3x256xf32>
    %get3A_60 = vector.shape_cast %get3A_59 : vector<1x3x256xf32> to vector<3x256xf32>
    %max3A = arith.maximumf %get3A_60, %concatenate3A : vector<3x256xf32>
    %swap3A = arith.constant 0 : index
    %swap3A_61 = arith.constant 0 : index
    %swap3A_62 = arith.constant 0 : index
    %swap3A_63 = vector.load %arg4[%swap3A, %swap3A_61, %swap3A_62] : memref<1x8x256xf32, #tpu.memory_space<vmem>>, vector<1x3x256xf32>
    %swap3A_64 = vector.shape_cast %swap3A_63 : vector<1x3x256xf32> to vector<3x256xf32>
    %swap3A_65 = vector.shape_cast %max3A : vector<3x256xf32> to vector<1x3x256xf32>
    tpu.vector_store %arg4[%swap3A, %swap3A_61, %swap3A_62], %swap3A_65 {strides = array<i32>} : memref<1x8x256xf32, #tpu.memory_space<vmem>>, vector<1x3x256xf32>,
    return
  }
  func.func @transform_0(%arg0: i32, %arg1: i32, %arg2: memref<16x3xi32, #tpu.memory_space<smem>>) -> (i32, i32, i32) {
    %c0_i32 = arith.constant 0 : i32
    %c0_i32_0 = arith.constant 0 : i32
    return %arg0, %arg1, %c0_i32 : i32, i32, i32
  }
  func.func @transform_1(%arg0: i32, %arg1: i32, %arg2: memref<16x3xi32, #tpu.memory_space<smem>>) -> (i32, i32, i32) {
    %c0_i32 = arith.constant 0 : i32
    %c0_i32_0 = arith.constant 0 : i32
    %c0_i32_1 = arith.constant 0 : i32
    return %arg0, %c0_i32, %c0_i32_0 : i32, i32, i32
  }
}

module attributes {stable_mosaic.version = 14 : i64} {
  func.func @_combine_body(%arg0: memref<16x8x256xf32, #tpu.memory_space<vmem>>, %arg1: memref<16x3x256xf32, #tpu.memory_space<vmem>>, %arg2: memref<16x3x256xf32, #tpu.memory_space<vmem>>) attributes {dimension_semantics = [], scalar_prefetch = 0 : i64, scratch_operands = 0 : i64, tpu.core_type = #tpu.core_type<tc>} {
    %get3A = arith.constant 0 : index
    %get3A_0 = arith.constant 0 : index
    %get3A_1 = arith.constant 0 : index
    %get3A_2 = vector.load %arg0[%get3A, %get3A_0, %get3A_1] : memref<16x8x256xf32, #tpu.memory_space<vmem>>, vector<16x3x256xf32>
    %get3A_3 = arith.constant 0 : index
    %get3A_4 = arith.constant 0 : index
    %get3A_5 = arith.constant 0 : index
    %get3A_6 = vector.load %arg1[%get3A_3, %get3A_4, %get3A_5] : memref<16x3x256xf32, #tpu.memory_space<vmem>>, vector<16x3x256xf32>
    %max3A = arith.maximumf %get3A_2, %get3A_6 : vector<16x3x256xf32>
    %swap3A = arith.constant 0 : index
    %swap3A_7 = arith.constant 0 : index
    %swap3A_8 = arith.constant 0 : index
    %swap3A_9 = vector.load %arg2[%swap3A, %swap3A_7, %swap3A_8] : memref<16x3x256xf32, #tpu.memory_space<vmem>>, vector<16x3x256xf32>
    tpu.vector_store %arg2[%swap3A, %swap3A_7, %swap3A_8], %max3A {strides = array<i32>} : memref<16x3x256xf32, #tpu.memory_space<vmem>>, vector<16x3x256xf32>,
    return
  }
}

</mosaic_0001>

<sc_bundles>
// kernel: kernel.5.cloned.1.call-start
scs
__scs_entry_jumppad:
0x0: {  	(pc) =	sbr.rel $0x88, $3  }
0x1: {  	(tag) =	ssettag $0x0;
	lr =	simm.s32 $0x1  }
0x2: {  	[smem:$0x3F9F] =	sst lr;
	_ =	strace $0xD0000000  }
0x3: {  	_ = 	snop  }
0x4: {  	_ = 	snop  }
0x5: {  	_ = 	snop  }
0x6: {  	_ = 	snop  }
0x7: {  	_ = 	snop  }
__scs_overlays_trampoline_lowered:
0x8: {  	[smem:$0x3FAE] =	sst s0  }
0x9: {  	[smem:$0x3FAF] =	sst s1  }
0xa: {  	[smem:$0x3FB0] =	sst s2  }
0xb: {  	[smem:$0x3FB1] =	sst s3  }
0xc: {  	[smem:$0x3FB2] =	sst s4  }
0xd: {  	[smem:$0x3FB3] =	sst s5  }
0xe: {  	[smem:$0x3FB4] =	sst s6  }
0xf: {  	[smem:$0x3FB5] =	sst s7  }
0x10: {  	[smem:$0x3FB6] =	sst s8  }
0x11: {  	[smem:$0x3FB7] =	sst s9;
	s0 =	simm.s32 @!p0 $0x0  }
0x12: {  	s1 =	sld [smem:$0x3F9D];
	s0 =	simm.s32 @p0 $0x1  }
0x13: {  	[smem:$0x3FB8] =	sst s0;
	s0 =	simm.s32 @!p1 $0x0  }
0x14: {  	s2 =	sld [smem:$0x3F9C];
	s0 =	simm.s32 @p1 $0x1  }
0x15: {  	[smem:$0x3FB9] =	sst s0;
	s0 =	simm.s32 @!p2 $0x0  }
0x16: {  	s3 =	sld [smem:$0x3FDB];
	s0 =	simm.s32 @p2 $0x1  }
0x17: {  	s4 =	simm.s32 $0x1BF5;
	[smem:$0x3FBB] =	sst s0  }
0x18: {  	s0 =	sld [smem:$0x3F9E];
	_ =	swait.ge [sflag:s4], $0x0  }
0x19: {  	s7 =	sld [smem:$0x3F9F]  }
0x1a: {  	s8 =	sadd.s32 $0xFFFFE003, lr  }
0x1b: {  	s9 =	sadd.s32 $0xFFFFFEF7, lr;
	s5 =	simm.s32 $0xFFFFFFFF;
	p2 =	slt.u32 s8, $0xFFFFF086  }
0x1c: {  	p1 =	slt.u32 s9, $0xF7A;
	s5 =	simm.s32 @!p2 $0x0  }
0x1d: {  	s5 =	simm.s32 @p1 $0x1;
	p0 =	seq.s32 s7, s2  }
0x1e: {  	s7 =	smul.u32 @!p0 $0xF7A, s2;
	p2 =	seq.s32 @!p0 s5, $0x0  }
0x1f: {  	s9 =	smul.u32 $0xF7A, s1;
	s8 =	simm.s32 @!p0 $0x1BF5;
	p2 =	por !p2, p0  }
0x20: {  	[sflag:s8] =	ssyncset.s32 @!p0 $0xFFFFF086;
	s6 =	sadd.s32 @!p0 s3, s7;
	s7 =	simm.s32 @!p0 $0x108  }
0x21: {  	s3 =	sadd.s32 s3, s9;
	s6 =	sadd.s32 @!p0 $0x88, s6;
	s7 =	simm.s32 @p2 $0x1082  }
0x22: {  	[simem:s7], [sflag:s8] =	dma.local @!p0 [hbm:s6], $0xF7A  }
0x23: {  	s9 =	sor.u32 $0xD0000000, s2;
	s6 =	simm.s32 $0x108;
	_ =	swait.ge @!p0 [sflag:s8], $0x0  }
0x24: {  	s3 =	sadd.s32 $0x88, s3;
	s6 =	simm.s32 @!p1 $0x1082;
	[sflag:s4] =	ssyncset.s32 $0xFFFFF086  }
0x25: {  	[simem:s6], [sflag:s4] =	dma.local [hbm:s3], $0xF7A  }
0x26: {  	[smem:$0x3F9F] =	sst s1;
	(tag) =	ssettag s2;
	_ =	strace s9  }
0x27: {  	s1 =	sld [smem:$0x3FAF]  }
0x28: {  	s2 =	sld [smem:$0x3FB0]  }
0x29: {  	s4 =	sld [smem:$0x3FB2]  }
0x2a: {  	p0 =	seq.s32 s5, $0x0;
	s5 =	sld [smem:$0x3FB3]  }
0x2b: {  	s6 =	sld [smem:$0x3FB4]  }
0x2c: {  	s7 =	sld [smem:$0x3FB5]  }
0x2d: {  	s3 =	simm.s32 $0x108;
	s8 =	sld [smem:$0x3FB6]  }
0x2e: {  	s3 =	simm.s32 @!p0 $0x1082;
	s9 =	sld [smem:$0x3FB7]  }
0x2f: {  	lr =	sadd.s32 s0, s3;
	s0 =	sld [smem:$0x3FAE]  }
0x30: {  	s3 =	sld [smem:$0x3FB1]  }
0x31: {  	[smem:$0x3FBA] =	sst s10  }
0x32: {  	s10 =	sld [smem:$0x3FB8];
	_ =	sdelay $0x3  }
0x33: {  	p0 =	seq.s32 s10, $0x1;
	s10 =	sld [smem:$0x3FBA];
	_ =	sdelay $0x3  }
0x34: {  	[smem:$0x3FBA] =	sst s10  }
0x35: {  	s10 =	sld [smem:$0x3FB9];
	_ =	sdelay $0x3  }
0x36: {  	p1 =	seq.s32 s10, $0x1;
	s10 =	sld [smem:$0x3FBA];
	_ =	sdelay $0x3  }
0x37: {  	[smem:$0x3FBA] =	sst s10  }
0x38: {  	s10 =	sld [smem:$0x3FBB]  }
0x39: {  	_ = 	snop;
	(pc) =	sbr.ind lr, $3  }
0x3a: {  	_ = 	snop  }
0x3b: {  	_ = 	snop  }
0x3c: {  	p2 =	seq.s32 s10, $0x1;
	s10 =	sld [smem:$0x3FBA]  }
0x3d: {  	_ =	shalt  }
0x3e: {  	_ =	shalt  }
0x3f: {  	_ =	shalt  }
0x40: {  	_ =	shalt  }
0x41: {  	_ =	shalt  }
0x42: {  	_ =	shalt  }
0x43: {  	_ =	shalt  }
0x44: {  	_ =	shalt  }
0x45: {  	_ =	shalt  }
0x46: {  	_ =	shalt  }
0x47: {  	_ =	shalt  }
0x48: {  	_ =	shalt  }
0x49: {  	_ =	shalt  }
0x4a: {  	_ =	shalt  }
0x4b: {  	_ =	shalt  }
0x4c: {  	_ =	shalt  }
0x4d: {  	_ =	shalt  }
0x4e: {  	_ =	shalt  }
0x4f: {  	_ =	shalt  }
0x50: {  	_ =	shalt  }
0x51: {  	_ =	shalt  }
0x52: {  	_ =	shalt  }
0x53: {  	_ =	shalt  }
0x54: {  	_ =	shalt  }
0x55: {  	_ =	shalt  }
0x56: {  	_ =	shalt  }
0x57: {  	_ =	shalt  }
0x58: {  	_ =	shalt  }
0x59: {  	_ =	shalt  }
0x5a: {  	_ =	shalt  }
0x5b: {  	_ =	shalt  }
0x5c: {  	_ =	shalt  }
0x5d: {  	_ =	shalt  }
0x5e: {  	_ =	shalt  }
0x5f: {  	_ =	shalt  }
0x60: {  	_ =	shalt  }
0x61: {  	_ =	shalt  }
0x62: {  	_ =	shalt  }
0x63: {  	_ =	shalt  }
0x64: {  	_ =	shalt  }
0x65: {  	_ =	shalt  }
0x66: {  	_ =	shalt  }
0x67: {  	_ =	shalt  }
0x68: {  	_ =	shalt  }
0x69: {  	_ =	shalt  }
0x6a: {  	_ =	shalt  }
0x6b: {  	_ =	shalt  }
0x6c: {  	_ =	shalt  }
0x6d: {  	_ =	shalt  }
0x6e: {  	_ =	shalt  }
0x6f: {  	_ =	shalt  }
0x70: {  	_ =	shalt  }
0x71: {  	_ =	shalt  }
0x72: {  	_ =	shalt  }
0x73: {  	_ =	shalt  }
0x74: {  	_ =	shalt  }
0x75: {  	_ =	shalt  }
0x76: {  	_ =	shalt  }
0x77: {  	_ =	shalt  }
0x78: {  	_ =	shalt  }
0x79: {  	_ =	shalt  }
0x7a: {  	_ =	shalt  }
0x7b: {  	_ =	shalt  }
0x7c: {  	_ =	shalt  }
0x7d: {  	_ =	shalt  }
0x7e: {  	_ =	shalt  }
0x7f: {  	_ =	shalt  }
0x80: {  	_ =	shalt  }
0x81: {  	_ =	shalt  }
0x82: {  	_ =	shalt  }
0x83: {  	_ =	shalt  }
0x84: {  	_ =	shalt  }
0x85: {  	_ =	shalt  }
0x86: {  	_ =	shalt  }
0x87: {  	_ =	shalt  }
.Lfunc_end0:
.L_simem_size_0:
called_computation_lowered:
.L_overlay_start_0:
0x88: {  	s2 =	sld [smem:$0x3FD9]  }
0x89: {  	s3 =	sld [smem:$0x3FFE];
	_ =	sdelay $0x1  }
0x8a: {  	s1 =	srdreg.scid  }
0x8b: {  	s0 =	sand.u32 $0x1, s1  }
0x8c: {  	s17 =	sshll.u32 s0, $0xA;
	s2 =	sadd.s32 s3, s2  }
0x8d: {  	s2 =	sadd.s32 s2, s17  }
0x8e: {  	[smem:$0x3FC6] =	sst s2  }
0x8f: {  	_ = 	snop  }
0x90: {  	s2 =	sld [smem:$0x3FC9]  }
0x91: {  	s18 =	sld [smem:$0x3FD0];
	(tm) =	ssettm $0x1  }
0x92: {  	s4 =	sld [smem:$0x3FFB];
	_ =	sdelay $0x3  }
0x93: {  	_ =	strace s4  }
0x94: {  	s4 =	sld [smem:$0x3FFC];
	_ =	sdelay $0x3  }
0x95: {  	_ =	strace s4  }
0x96: {  	s4 =	sld [smem:$0x3FFD];
	_ =	sdelay $0x3  }
0x97: {  	_ =	strace s4  }
0x98: {  	_ =	strace $0x8FFFFFFF  }
0x99: {  	s19 =	sld [smem:$0x3FDB];
	_ =	sdelay $0x1  }
0x9a: {  	s5 =	simm.s32 $_scs_section_size  }
0x9b: {  	s6 =	simm.s32 $_size__tile_overlayer_lowered;
	s7 =	simm.s32 $_tile_overlayer_lowered  }
0x9c: {  	s22 =	simm.s32 $0x1BFF;
	s21 =	sshll.u32 s7, $0x1;
	s4 =	sadd.s32 s5, s19  }
0x9d: {  	s8 =	simm.s32 $0x0;
	s20 =	sshll.u32 s6, $0x1;
	s6 =	sadd.s32 s21, s4  }
0x9e: {  	[timem:s8], [sflag:s22] =	dma.local [hbm:s6], s20  }
0x9f: {  	_ =	swait.ge [sflag:s22], s20  }
0xa0: {  	s5 =	ssub.s32 $0x0, s20;
	[sflag:s22] =	ssyncset.done $0x0  }
0xa1: {  	[sflag:s22] =	ssyncadd.s32 s5;
	_ =	sdelay $0x1  }
0xa2: {  	s23 =	simm.s32 $0x1B8B  }
0xa3: {  	_ =	swait.ge [sflag:s23], $0x1  }
0xa4: {  	[sflag:s23] =	ssyncset.done $0x0  }
0xa5: {  	s25 =	simm.s32 $0x1B8E;
	s24 =	sld [smem:$0x3FFE];
	[sflag:s23] =	ssyncadd.s32 $0xFFFFFFFF  }
0xa6: {  	s26 =	simm.s32 $execute0_lowered;
	[smem:$0x3FD2] =	sst s25  }
0xa7: {  	s6 =	sshll.u32 s26, $0x1;
	_ =	strace $0x80000046;
	[dreg:$0x1] =	wrdreg $0xFFFFFFFF  }
0xa8: {  	s28 =	simm.s32 $_size_execute0_lowered;
	s4 =	sadd.s32 s4, s6;
	[dreg:$0x0] =	wrdreg $0x0  }
0xa9: {  	s6 =	sshll.u32 s28, $0x1;
	[dreg:$0x2] =	wrdreg s4  }
0xaa: {  	[dreg:$0x3] =	wrdreg s6  }
0xab: {  	[dreg:$0x4] =	wrdreg $0xC0  }
0xac: {  	_ =	task [dreg:s8], $0x5FFFF  }
0xad: {  	[dreg:$0x1] =	wrdreg $0xFFFFFFFF  }
0xae: {  	[dreg:$0x0] =	wrdreg $0x60  }
0xaf: {  	[dreg:$0x2] =	wrdreg s2  }
0xb0: {  	[dreg:$0x3] =	wrdreg s18  }
0xb1: {  	[dreg:$0x4] =	wrdreg s24  }
0xb2: {  	[dreg:$0x5] =	wrdreg $0x9  }
0xb3: {  	_ =	task.clear_ibuf [dreg:s8], $0x6FFFF;
	_ =	strace $0x90000046  }
0xb4: {  	s29 =	simm.s32 $0x9;
	_ =	strace $0x80000048  }
0xb5: {  	_ =	swait.ge [sflag:s29], $0x1  }
0xb6: {  	[sflag:s29] =	ssyncadd.s32 $0xFFFFFFFF  }
0xb7: {  	_ =	strace $0x90000048  }
0xb8: {  	_ =	sfence  }
0xb9: {  	s30 =	sld [smem:$0x0];
	_ =	sdelay $0x2  }
0xba: {  	s31 =	sshll.u32 s1, $0xD;
	s1 =	sshrl.u32 s1, $0x2  }
0xbb: {  	s3 =	sand.u32 $0x4000, s31;
	s1 =	sadd.s32 s1, s30  }
0xbc: {  	s0 =	sor.u32 s3, s0;
	s1 =	sshll.u32 s1, $0x11  }
0xbd: {  	s0 =	sor.u32 s1, s0  }
0xbe: {  	s0 =	sadd.s32 $0x8F2B, s0  }
0xbf: {  	[sflag:s0] =	ssyncadd.remote.s32 $0x1  }
0xc0: {  	_ =	sfence.sel $0xFFFF  }
0xc1: {  	[dreg:$0x0] =	wrdreg $0xFFFFFFFF;
	(pc) =	sbr.abs _section_cstart, $3  }
0xc2: {  	[dreg:$0x1] =	wrdreg $0xFFFFFFFF  }
0xc3: {  	_ =	task.clear_ibuf [dreg:s8], $0x2FFFF;
	_ =	strace $0x9FFFFFFF  }
0xc4: {  	(tm) =	ssettm $0x7FFFFFFF  }
0xc5: {  	_ =	shalt  }
tec
execute0_lowered:
.L_overlay_start_1:
0x0: {  	(tag) =	ssettag $0x1  }
0x1: {  	s1 =	srdreg.scid;
	s7 =	rddreg [dreg:$0x0]  }
0x2: {  	s0 =	stileid.u32;
	s4 =	rddreg [dreg:$0x1];
	s1 =	sand.u32 $0x1, s1  }
0x3: {  	s5 =	rddreg [dreg:$0x2];
	s12 =	simm.s32 $0x200;
	s2 =	sor.u32 s1, s0  }
0x4: {  	s13 =	simm.s32 $0x400;
	p1 =	seq.s32 s1, $0x1;
	p0 =	seq.s32 s2, $0x0  }
0x5: {  	s14 =	simm.s32 $0x10080;
	s15 =	simm.s32 $0x0;
	p0 =	por !p0, !p1  }
0x6: {  	s29 =	ssub.s32 $0x2, s1;
	s2 =	simm.s32 $0x1;
	p0 =	por !p0, !p0  }
0x7: {  	s8 =	sshll.u32 s1, $0x9;
	s10 =	sshrl.u32 s29, $0x1;
	s2 =	simm.s32 @!p0 $0x0  }
0x8: {  	s1 =	sshll.u32 s1, $0x7;
	s10 =	ssub.s32 s29, s10;
	s6 =	ssub.s32 s0, s2  }
0x9: {  	s10 =	smax.u32 s10, $0x1;
	s2 =	simm.s32 $0x0;
	s3 =	sshll.u32 s6, $0xA  }
0xa: {  	[smem:$0x7FF] =	sst s2;
	s30 =	sshll.u32 s6, $0x11;
	s31 =	sshll.u32 s6, $0x4  }
0xb: {  	s11 =	sshll.u32 s6, $0x14;
	s8 =	sor.u32 s8, s3;
	_ =	strace $0x80000047  }
.Ltmp0:
0xc: {  	s3 =	simm.s32 $0x1;
	s8 =	sshrl.u32 s8, $0x3;
	(pc) =	sbr.rel .LBB2_1-.Ltmp0, $4  }
0xd: {  	s9 =	sadd.s32 s8, s5;
	s8 =	sand.u32 $0x1FFE0000, s30;
	s5 =	sand.u32 $0x1FFFFFF0, s31  }
0xe: {  	s6 =	sor.u32 $0x70000, s11;
	s8 =	sor.u32 s8, s1;
	s4 =	sadd.s32 s4, s5  }
0xf: {  	s9 =	sadd.s32 $0x600, s9;
	s8 =	sadd.s32 s8, s7;
	s7 =	sadd.s32 s7, s1  }
0x10: {  	s5 =	sadd.s32 $0xC000, s8;
	s8 =	sor.u32 $0x80000, s11;
	s11 =	simm.s32 $0x3  }
.LBB2_2:
0x11: {  	v23 =	vimm.f32 $-Inf;
	v20 =	vimm.f32 $-Inf;
	v19 =	vimm.f32 $-Inf  }
0x12: {  	v17 =	vimm.f32 $-Inf;
	v22 =	vimm.f32 $-Inf;
	v21 =	vimm.f32 $-Inf  }
0x13: {  	v18 =	vimm.f32 $-Inf;
	v16 =	vimm.f32 $-Inf;
	v15 =	vimm.f32 $-Inf  }
0x14: {  	v14 =	vimm.f32 $-Inf;
	v13 =	vimm.f32 $-Inf;
	v12 =	vimm.f32 $-Inf  }
0x15: {  	v11 =	vimm.f32 $-Inf;
	v10 =	vimm.f32 $-Inf;
	v9 =	vimm.f32 $-Inf  }
0x16: {  	v8 =	vimm.f32 $-Inf;
	v7 =	vimm.f32 $-Inf;
	v6 =	vimm.f32 $-Inf  }
0x17: {  	v5 =	vimm.f32 $-Inf;
	v4 =	vimm.f32 $-Inf;
	v3 =	vimm.f32 $-Inf  }
0x18: {  	v2 =	vimm.f32 $-Inf;
	v1 =	vimm.f32 $-Inf;
	v0 =	vimm.f32 $-Inf  }
.LBB2_31:
0x19: {  	[tilespmem:$0x10080] =	vst v23  }
0x1a: {  	[tilespmem:$0x10090] =	vst v20  }
0x1b: {  	[tilespmem:$0x100A0] =	vst v19  }
0x1c: {  	[tilespmem:$0x100B0] =	vst v17  }
0x1d: {  	[tilespmem:$0x100C0] =	vst v22  }
0x1e: {  	[tilespmem:$0x100D0] =	vst v21  }
0x1f: {  	[tilespmem:$0x100E0] =	vst v18  }
0x20: {  	[tilespmem:$0x100F0] =	vst v16  }
0x21: {  	[tilespmem:$0x10100] =	vst v15  }
0x22: {  	[tilespmem:$0x10110] =	vst v14  }
0x23: {  	[tilespmem:$0x10120] =	vst v13  }
0x24: {  	[tilespmem:$0x10130] =	vst v12  }
0x25: {  	[tilespmem:$0x10140] =	vst v11  }
0x26: {  	[tilespmem:$0x10150] =	vst v10  }
0x27: {  	[tilespmem:$0x10160] =	vst v9  }
0x28: {  	[tilespmem:$0x10170] =	vst v8  }
0x29: {  	[tilespmem:$0x10180] =	vst v7  }
0x2a: {  	[tilespmem:$0x10190] =	vst v6  }
0x2b: {  	[tilespmem:$0x101A0] =	vst v5  }
0x2c: {  	[tilespmem:$0x101B0] =	vst v4  }
0x2d: {  	[tilespmem:$0x101C0] =	vst v3  }
0x2e: {  	[tilespmem:$0x101D0] =	vst v2  }
0x2f: {  	[tilespmem:$0x101E0] =	vst v1  }
0x30: {  	[tilespmem:$0x101F0] =	vst v0;
	s15 =	sadd.s32 $0x1, s15  }
0x31: {  	[hbm4b:s9+s12] =	stream.strided.scatter [tilespmem:s14], [sflag:$0x3], $0x0, s13, s12, $0x38;
	[tilespmem:$0x10280] =	vst v63  }
0x32: {  	p0 =	sne.s32 s15, s10  }
.Ltmp1:
0x33: {  	_ = 	snop;
	(pc) =	sbr.rel @!p0 .LBB2_32-.Ltmp1, $4  }
0x34: {  	[hbm4b:s9+s2] =	stream.linear.scatter [tilespmem:s14], [sflag:$0x3], $0x180, $0x38;
	[tilespmem:$0x10280] =	vst v63  }
0x35: {  	_ =	swait.ge [sflag:s11], $0x180  }
0x36: {  	[sflag:s11] =	ssyncset.done $0x0  }
0x37: {  	[sflag:s11] =	ssyncadd.s32 $0xFFFFFE80  }
.LBB2_1:
0x38: {  	[tilespmem:s2], [sflag:$0x3] =	stream.linear.gather [hbm4b:s4+s2], $0x80, $0x38;
	[tilespmem:$0x10280] =	vst v63  }
0x39: {  	_ =	swait.ge [sflag:s11], $0x80  }
0x3a: {  	[sflag:s11] =	ssyncset.done $0x0  }
0x3b: {  	[sflag:s11] =	ssyncadd.s32 $0xFFFFFF80  }
0x3c: {  	v0 =	vld [tilespmem:$0x0];
	_ =	sdelay $0x4  }
0x3d: {  	(v2sf) =	vpush v0, $0x0  }
0x3e: {  	(v2sf) =	vpush v0, $0x1  }
0x3f: {  	(v2sf) =	vpush v0, $0x2;
	_ =	sdelay $0xc  }
0x40: {  	s16 =	spop (v2sf)  }
0x41: {  	s17 =	spop (v2sf)  }
0x42: {  	s18 =	spop (v2sf)  }
0x43: {  	s1 =	sadd.s32 $0xFF, s18  }
0x44: {  	s19 =	sand.u32 $0xFF, s1  }
0x45: {  	s20 =	sshra.s32 s1, $0x1F;
	p0 =	slt.s32 s1, $0x1;
	p1 =	sne.s32 s19, $0x0  }
0x46: {  	s30 =	sshrl.u32 s20, $0x18;
	p0 =	por !p0, !p1  }
0x47: {  	s19 =	simm.s32 $0x1;
	s1 =	sadd.s32 s30, s1;
	p0 =	por !p0, !p0  }
0x48: {  	s1 =	sshra.s32 s1, $0x8;
	s19 =	simm.s32 @!p0 $0x0  }
0x49: {  	s1 =	ssub.s32 s1, s19  }
0x4a: {  	p0 =	sgt.s32 s1, $0x6  }
0x4b: {  	p1 =	slt.s32 s1, $0x7;
	s1 =	simm.s32 @!p0 $0x6  }
0x4c: {  	s31 =	sadd.s32 $0xFFFFFFFB, s1  }
0x4d: {  	s19 =	sshrl.u32 s31, $0x1  }
0x4e: {  	p0 =	seq.s32 s19, $0x0  }
.Ltmp2:
0x4f: {  	_ = 	snop;
	(pc) =	sbr.rel @p0 .LBB2_2-.Ltmp2, $3  }
0x50: {  	_ =	sdelay $0x1  }
0x51: {  	s20 =	simm.s32 @!p1 $0x400;
	s21 =	simm.s32 @!p1 $0x800;
	s22 =	simm.s32 @!p1 $0x80  }
0x52: {  	[tilespmem:s22], [sflag:$0x1] =	stream.strided.gather @!p1 [hbm4b:s5+s20], $0x8000, s21, s20, $0x38;
	[tilespmem:$0x10280] =	vst v63  }
0x53: {  	v0 =	vimm.f32 $-Inf;
	v1 =	vimm.f32 $-Inf;
	v2 =	vimm.f32 $-Inf  }
0x54: {  	v3 =	vimm.f32 $-Inf;
	v4 =	vimm.f32 $-Inf;
	v5 =	vimm.f32 $-Inf  }
0x55: {  	v6 =	vimm.f32 $-Inf;
	v7 =	vimm.f32 $-Inf;
	v8 =	vimm.f32 $-Inf  }
.Ltmp3:
0x56: {  	v9 =	vimm.f32 $-Inf;
	v10 =	vimm.f32 $-Inf;
	v11 =	vimm.f32 $-Inf;
	(pc) =	sbr.rel .LBB2_4-.Ltmp3, $4  }
0x57: {  	v12 =	vimm.f32 $-Inf;
	v13 =	vimm.f32 $-Inf;
	v14 =	vimm.f32 $-Inf  }
0x58: {  	v15 =	vimm.f32 $-Inf;
	v16 =	vimm.f32 $-Inf;
	v18 =	vimm.f32 $-Inf  }
0x59: {  	s20 =	sadd.s32 $0xFFFFFFFA, s1;
	s21 =	sadd.s32 $0xFFFFFA00, s16;
	s22 =	sadd.s32 $0xFFFFF900, s16;
	v21 =	vimm.f32 $-Inf;
	v22 =	vimm.f32 $-Inf;
	v17 =	vimm.f32 $-Inf  }
0x5a: {  	s23 =	sadd.s32 $0xFFFFFA00, s17;
	s24 =	sadd.s32 $0xFFFFF900, s17;
	s25 =	simm.s32 $0x0;
	v19 =	vimm.f32 $-Inf;
	v20 =	vimm.f32 $-Inf;
	v23 =	vimm.f32 $-Inf  }
.LBB2_29:
0x5b: {  	v4 =	vmax.f32 v4, v25;
	v3 =	vmax.f32 v3, v24  }
0x5c: {  	v2 =	vmax.f32 v2, v26;
	v1 =	vmax.f32 v1, v27;
	v7 =	vmax.f32 v7, v28  }
.LBB2_30:
0x5d: {  	s25 =	sadd.s32 $0x1, s25  }
0x5e: {  	p0 =	sne.s32 s25, s19  }
.Ltmp4:
0x5f: {  	_ = 	snop;
	(pc) =	sbr.rel @!p0 .LBB2_31-.Ltmp4, $3  }
0x60: {  	_ =	sdelay $0x1  }
0x61: {  	s21 =	sadd.s32 $0xFFFFFE00, s21  }
0x62: {  	s22 =	sadd.s32 $0xFFFFFE00, s22;
	s23 =	sadd.s32 $0xFFFFFE00, s23;
	s24 =	sadd.s32 $0xFFFFFE00, s24  }
.LBB2_4:
0x63: {  	s1 =	sshllo.u32 s25, $0x1  }
0x64: {  	p0 =	sge.u32 s1, s20  }
0x65: {  	_ =	swait.ge [sflag:s3], $0x8000;
	s26 =	sshll.u32 s25, $0x9;
	s1 =	sshll.u32 @!p0 s25, $0x11  }
0x66: {  	[sflag:s3] =	ssyncset.done $0x0;
	s28 =	sadd.s32 $0x600, s26;
	s1 =	sadd.s32 @!p0 s1, s6  }
0x67: {  	[sflag:s3] =	ssyncadd.s32 $0xFFFF8000;
	s29 =	simm.s32 @!p0 $0x400;
	s1 =	sshrl.u32 @!p0 s1, $0x3  }
0x68: {  	s30 =	simm.s32 @!p0 $0x800;
	s31 =	simm.s32 @!p0 $0x8080;
	s1 =	sadd.s32 @!p0 s1, s7  }
0x69: {  	[tilespmem:s31], [sflag:$0x2] =	stream.strided.gather @!p0 [hbm4b:s1+s29], $0x8000, s30, s29, $0x38;
	[tilespmem:$0x10280] =	vst v63  }
0x6a: {  	s29 =	ssub.s32 s16, s28  }
0x6b: {  	p1 =	sgt.s32 s29, $0x0  }
.Ltmp5:
0x6c: {  	_ = 	snop;
	(pc) =	sbr.rel @!p1 .LBB2_7-.Ltmp5, $1  }
0x6d: {  	_ =	sdelay $0x3  }
0x6e: {  	p2 =	sgt.s32 s21, $0x1;
	s1 =	smov.u32 s21  }
0x6f: {  	s1 =	simm.s32 @!p2 $0x1  }
0x70: {  	s1 =	smin.u32 s1, $0x100  }
0x71: {  	p3 =	seq.s32 s1, $0x1  }
.Ltmp6:
0x72: {  	_ = 	snop;
	(pc) =	sbr.rel @p3 .LBB2_6-.Ltmp6, $3  }
0x73: {  	_ =	sdelay $0x1  }
0x74: {  	s30 =	simm.s32 $0xC0  }
0x75: {  	v24 =	vld [tilespmem:s30+$0x30];
	p2 =	por $0x0, $0x0;
	s1 =	sadd.s32 $0xFFFFFFFF, s1  }
0x76: {  	v29 =	vld [tilespmem:s30+$0xFFFFFFD0]  }
0x77: {  	v30 =	vld [tilespmem:s30+$0xFFFFFFE0]  }
0x78: {  	v31 =	vld [tilespmem:s30+$0xFFFFFFF0];
	p3 =	seq.s32 s1, $0x1  }
.Ltmp7:
0x79: {  	v25 =	vld [tilespmem:s30+$0x0];
	(pc) =	sbr.rel @p3 .LBB2_19-.Ltmp7, $4  }
0x7a: {  	v26 =	vld [tilespmem:s30+$0x10]  }
0x7b: {  	v27 =	vld [tilespmem:s30+$0x20]  }
0x7c: {  	v28 =	vld [tilespmem:s30+$0xFFFFFFC0];
	s30 =	simm.s32 $0x140;
	v32 =	vmov v23;
	v16 =	vmax.f32 v16, v24;
	v20 =	vmax.f32 v20, v29  }
0x7d: {  	s31 =	sadd.s32 $0xFFFFFFFF, s1;
	p2 =	por $0x1, $0x1;
	v24 =	vld [tilespmem:s30+$0x30];
	v19 =	vmax.f32 v19, v30;
	v17 =	vmax.f32 v17, v31;
	v29 =	vmovc v22;
	v30 =	vmovc v21;
	v31 =	vmov v18  }
.LBB2_20:
0x7e: {  	p3 =	seq.s32 s31, $0x1;
	v33 =	vld [tilespmem:s30+$0xFFFFFFD0];
	v29 =	vmax.f32 v29, v25  }
0x7f: {  	v34 =	vld [tilespmem:s30+$0xFFFFFFE0];
	v30 =	vmax.f32 v30, v26  }
0x80: {  	v35 =	vld [tilespmem:s30+$0xFFFFFFF0];
	v31 =	vmax.f32 v31, v27  }
.Ltmp8:
0x81: {  	v25 =	vld [tilespmem:s30+$0x0];
	v32 =	vmax.f32 v32, v28;
	(pc) =	sbr.rel @!p3 .LBB2_20-.Ltmp8, $4  }
0x82: {  	v26 =	vld [tilespmem:s30+$0x10];
	v16 =	vmax.f32 v16, v24  }
0x83: {  	v20 =	vmax.f32 v20, v33;
	v27 =	vld [tilespmem:s30+$0x20]  }
0x84: {  	v28 =	vld [tilespmem:s30+$0xFFFFFFC0];
	v19 =	vmax.f32 v19, v34;
	s30 =	sadd.s32 $0x80, s30  }
0x85: {  	s31 =	sadd.s32 $0xFFFFFFFF, s31;
	v24 =	vld [tilespmem:s30+$0x30];
	v17 =	vmax.f32 v17, v35  }
.LBB2_21:
0x86: {  	v33 =	vld [tilespmem:s30+$0xFFFFFFD0]  }
0x87: {  	v34 =	vld [tilespmem:s30+$0xFFFFFFE0]  }
0x88: {  	v35 =	vld [tilespmem:s30+$0xFFFFFFF0]  }
0x89: {  	v36 =	vld [tilespmem:s30+$0x0]  }
0x8a: {  	v37 =	vld [tilespmem:s30+$0x10]  }
0x8b: {  	v38 =	vld [tilespmem:s30+$0x20]  }
0x8c: {  	v25 =	vmax.f32 @p2 v29, v25;
	v63 =	vld [tilespmem:s30+$0xFFFFFFC0]  }
0x8d: {  	v26 =	vmax.f32 @p2 v30, v26;
	v22 =	vpsel p2, v25, v22;
	v27 =	vmax.f32 @p2 v31, v27  }
0x8e: {  	v21 =	vpsel p2, v26, v21;
	v28 =	vmax.f32 @p2 v32, v28;
	v18 =	vpsel p2, v27, v18  }
0x8f: {  	v16 =	vmax.f32 v16, v24;
	v23 =	vpsel p2, v28, v23;
	v20 =	vmax.f32 v20, v33  }
0x90: {  	v19 =	vmax.f32 v19, v34;
	v17 =	vmax.f32 v17, v35;
	v22 =	vmax.f32 v22, v36  }
0x91: {  	v21 =	vmax.f32 v21, v37;
	v18 =	vmax.f32 v18, v38;
	v23 =	vmax.f32 v23, v63  }
.LBB2_7:
0x92: {  	s31 =	ssub.s32 s17, s28  }
0x93: {  	p2 =	sgt.s32 s31, $0x0  }
0x94: {  	s31 =	simm.s32 @!p2 $0x0  }
0x95: {  	s29 =	simm.s32 @!p1 $0x0;
	s30 =	smin.u32 s31, $0x100  }
0x96: {  	p1 =	slt.u32 s29, s30  }
.Ltmp9:
0x97: {  	_ = 	snop;
	(pc) =	sbr.rel @!p1 .LBB2_11-.Ltmp9, $1  }
0x98: {  	_ =	sdelay $0x3  }
0x99: {  	p1 =	sgt.s32 s21, $0x0;
	s1 =	smov.u32 s21  }
0x9a: {  	s1 =	simm.s32 @!p1 $0x0  }
0x9b: {  	s1 =	smin.u32 s1, $0x100  }
0x9c: {  	s1 =	sshll.u32 s1, $0x7  }
0x9d: {  	s1 =	sadd.s32 $0xC0, s1  }
0x9e: {  	s29 =	smin.u32 s29, $0x100;
	v28 =	vld [tilespmem:s1+$0x30]  }
0x9f: {  	s29 =	sadd.s32 $0x1, s29;
	v29 =	vld [tilespmem:s1+$0xFFFFFFD0]  }
0xa0: {  	p1 =	slt.u32 s29, s30;
	v30 =	vld [tilespmem:s1+$0xFFFFFFE0]  }
.Ltmp10:
0xa1: {  	v25 =	vld [tilespmem:s1+$0xFFFFFFF0];
	(pc) =	sbr.rel @!p1 .LBB2_10-.Ltmp10, $4  }
0xa2: {  	v24 =	vld [tilespmem:s1+$0x0]  }
0xa3: {  	v26 =	vld [tilespmem:s1+$0x10]  }
0xa4: {  	v27 =	vld [tilespmem:s1+$0x20]  }
0xa5: {  	v8 =	vmax.f32 v8, v28;
	v14 =	vmax.f32 v14, v29;
	v28 =	vld [tilespmem:s1+$0xFFFFFFC0];
	v13 =	vmax.f32 v13, v30;
	s1 =	sadd.s32 $0x80, s1  }
.LBB2_9:
0xa6: {  	v29 =	vld [tilespmem:s1+$0x30];
	s29 =	sadd.s32 $0x1, s29;
	v12 =	vmax.f32 v12, v25  }
0xa7: {  	v30 =	vld [tilespmem:s1+$0xFFFFFFD0];
	p1 =	slt.u32 s29, s30;
	v11 =	vmax.f32 v11, v24  }
0xa8: {  	v31 =	vld [tilespmem:s1+$0xFFFFFFE0];
	v10 =	vmax.f32 v10, v26  }
.Ltmp11:
0xa9: {  	v25 =	vld [tilespmem:s1+$0xFFFFFFF0];
	v9 =	vmax.f32 v9, v27;
	(pc) =	sbr.rel @p1 .LBB2_9-.Ltmp11, $4  }
0xaa: {  	v24 =	vld [tilespmem:s1+$0x0];
	v15 =	vmax.f32 v15, v28  }
0xab: {  	v26 =	vld [tilespmem:s1+$0x10];
	v8 =	vmax.f32 v8, v29  }
0xac: {  	v14 =	vmax.f32 v14, v30;
	v27 =	vld [tilespmem:s1+$0x20]  }
0xad: {  	v28 =	vld [tilespmem:s1+$0xFFFFFFC0];
	v13 =	vmax.f32 v13, v31;
	s1 =	sadd.s32 $0x80, s1  }
.LBB2_10:
0xae: {  	_ =	sdelay $0x2  }
0xaf: {  	v12 =	vmax.f32 v12, v25;
	v11 =	vmax.f32 v11, v24  }
0xb0: {  	v10 =	vmax.f32 v10, v26;
	v9 =	vmax.f32 v9, v27;
	v15 =	vmax.f32 v15, v28  }
.LBB2_11:
0xb1: {  	s1 =	ssub.s32 s18, s28  }
0xb2: {  	p1 =	sgt.s32 s1, $0x0  }
0xb3: {  	s1 =	simm.s32 @!p1 $0x0  }
0xb4: {  	s28 =	smin.u32 s1, $0x100  }
0xb5: {  	p1 =	slt.u32 s31, s28  }
.Ltmp12:
0xb6: {  	_ = 	snop;
	(pc) =	sbr.rel @!p1 .LBB2_15-.Ltmp12, $1  }
0xb7: {  	_ =	sdelay $0x3  }
0xb8: {  	p1 =	sgt.s32 s23, $0x0;
	s1 =	smov.u32 s23  }
0xb9: {  	s1 =	simm.s32 @!p1 $0x0  }
0xba: {  	s1 =	smin.u32 s1, $0x100  }
0xbb: {  	s1 =	sshll.u32 s1, $0x7  }
0xbc: {  	s1 =	sadd.s32 $0xC0, s1  }
0xbd: {  	v28 =	vld [tilespmem:s1+$0x30]  }
0xbe: {  	s29 =	sadd.s32 $0x1, s30;
	v29 =	vld [tilespmem:s1+$0xFFFFFFD0]  }
0xbf: {  	p1 =	slt.u32 s29, s28;
	v30 =	vld [tilespmem:s1+$0xFFFFFFE0]  }
.Ltmp13:
0xc0: {  	v25 =	vld [tilespmem:s1+$0xFFFFFFF0];
	(pc) =	sbr.rel @!p1 .LBB2_14-.Ltmp13, $4  }
0xc1: {  	v24 =	vld [tilespmem:s1+$0x0]  }
0xc2: {  	v26 =	vld [tilespmem:s1+$0x10]  }
0xc3: {  	v27 =	vld [tilespmem:s1+$0x20]  }
0xc4: {  	v0 =	vmax.f32 v0, v28;
	v6 =	vmax.f32 v6, v29;
	v28 =	vld [tilespmem:s1+$0xFFFFFFC0];
	v5 =	vmax.f32 v5, v30;
	s1 =	sadd.s32 $0x80, s1  }
.LBB2_13:
0xc5: {  	v29 =	vld [tilespmem:s1+$0x30];
	s29 =	sadd.s32 $0x1, s29;
	v4 =	vmax.f32 v4, v25  }
0xc6: {  	v30 =	vld [tilespmem:s1+$0xFFFFFFD0];
	p1 =	slt.u32 s29, s28;
	v3 =	vmax.f32 v3, v24  }
0xc7: {  	v31 =	vld [tilespmem:s1+$0xFFFFFFE0];
	v2 =	vmax.f32 v2, v26  }
.Ltmp14:
0xc8: {  	v25 =	vld [tilespmem:s1+$0xFFFFFFF0];
	v1 =	vmax.f32 v1, v27;
	(pc) =	sbr.rel @p1 .LBB2_13-.Ltmp14, $4  }
0xc9: {  	v24 =	vld [tilespmem:s1+$0x0];
	v7 =	vmax.f32 v7, v28  }
0xca: {  	v26 =	vld [tilespmem:s1+$0x10];
	v0 =	vmax.f32 v0, v29  }
0xcb: {  	v6 =	vmax.f32 v6, v30;
	v27 =	vld [tilespmem:s1+$0x20]  }
0xcc: {  	v28 =	vld [tilespmem:s1+$0xFFFFFFC0];
	v5 =	vmax.f32 v5, v31;
	s1 =	sadd.s32 $0x80, s1  }
.LBB2_14:
0xcd: {  	_ =	sdelay $0x2  }
0xce: {  	v4 =	vmax.f32 v4, v25;
	v3 =	vmax.f32 v3, v24  }
0xcf: {  	v2 =	vmax.f32 v2, v26;
	v1 =	vmax.f32 v1, v27;
	v7 =	vmax.f32 v7, v28  }
.LBB2_15:
0xd0: {  	s1 =	sshll.u32 s25, $0x1  }
0xd1: {  	s1 =	sadd.s32 $0x2, s1  }
0xd2: {  	p1 =	sge.u32 s1, s20  }
0xd3: {  	s1 =	sshll.u32 @!p1 s25, $0x11  }
0xd4: {  	s1 =	sadd.s32 @!p1 s1, s8  }
0xd5: {  	s26 =	sadd.s32 $0x700, s26;
	s28 =	simm.s32 @!p1 $0x400;
	s1 =	sshrl.u32 @!p1 s1, $0x3  }
0xd6: {  	s29 =	simm.s32 @!p1 $0x800;
	s30 =	simm.s32 @!p1 $0x80;
	s1 =	sadd.s32 @!p1 s1, s7  }
0xd7: {  	[tilespmem:s30], [sflag:$0x1] =	stream.strided.gather @!p1 [hbm4b:s1+s28], $0x8000, s29, s28, $0x38;
	[tilespmem:$0x10280] =	vst v63  }
0xd8: {  	s28 =	ssub.s32 s16, s26  }
0xd9: {  	p1 =	sgt.s32 s28, $0x0  }
.Ltmp15:
0xda: {  	_ = 	snop;
	(pc) =	sbr.rel @!p1 .LBB2_22-.Ltmp15, $4  }
0xdb: {  	s1 =	simm.s32 @!p0 $0x2  }
0xdc: {  	_ =	swait.ge @!p0 [sflag:s1], $0x8000  }
0xdd: {  	[sflag:s1] =	ssyncset.done @!p0 $0x0  }
0xde: {  	[sflag:s1] =	ssyncadd.s32 @!p0 $0xFFFF8000  }
0xdf: {  	p0 =	sgt.s32 s22, $0x1;
	s1 =	smov.u32 s22  }
0xe0: {  	s1 =	simm.s32 @!p0 $0x1  }
0xe1: {  	s1 =	smin.u32 s1, $0x100  }
0xe2: {  	p2 =	seq.s32 s1, $0x1  }
.Ltmp16:
0xe3: {  	_ = 	snop;
	(pc) =	sbr.rel @p2 .LBB2_17-.Ltmp16, $3  }
0xe4: {  	_ =	sdelay $0x1  }
0xe5: {  	s29 =	simm.s32 $0x80C0  }
0xe6: {  	v24 =	vld [tilespmem:s29+$0x30];
	p0 =	por $0x0, $0x0;
	s1 =	sadd.s32 $0xFFFFFFFF, s1  }
0xe7: {  	v29 =	vld [tilespmem:s29+$0xFFFFFFD0]  }
0xe8: {  	v30 =	vld [tilespmem:s29+$0xFFFFFFE0]  }
0xe9: {  	v31 =	vld [tilespmem:s29+$0xFFFFFFF0];
	p2 =	seq.s32 s1, $0x1  }
.Ltmp17:
0xea: {  	v25 =	vld [tilespmem:s29+$0x0];
	(pc) =	sbr.rel @p2 .LBB2_34-.Ltmp17, $4  }
0xeb: {  	v26 =	vld [tilespmem:s29+$0x10]  }
0xec: {  	v27 =	vld [tilespmem:s29+$0x20]  }
0xed: {  	v28 =	vld [tilespmem:s29+$0xFFFFFFC0];
	s29 =	simm.s32 $0x8140;
	v32 =	vmov v23;
	v16 =	vmax.f32 v16, v24;
	v20 =	vmax.f32 v20, v29  }
0xee: {  	s30 =	sadd.s32 $0xFFFFFFFF, s1;
	p0 =	por $0x1, $0x1;
	v24 =	vld [tilespmem:s29+$0x30];
	v19 =	vmax.f32 v19, v30;
	v17 =	vmax.f32 v17, v31;
	v29 =	vmovc v22;
	v30 =	vmovc v21;
	v31 =	vmov v18  }
.LBB2_35:
0xef: {  	p2 =	seq.s32 s30, $0x1;
	v33 =	vld [tilespmem:s29+$0xFFFFFFD0];
	v29 =	vmax.f32 v29, v25  }
0xf0: {  	v34 =	vld [tilespmem:s29+$0xFFFFFFE0];
	v30 =	vmax.f32 v30, v26  }
0xf1: {  	v35 =	vld [tilespmem:s29+$0xFFFFFFF0];
	v31 =	vmax.f32 v31, v27  }
.Ltmp18:
0xf2: {  	v25 =	vld [tilespmem:s29+$0x0];
	v32 =	vmax.f32 v32, v28;
	(pc) =	sbr.rel @!p2 .LBB2_35-.Ltmp18, $4  }
0xf3: {  	v26 =	vld [tilespmem:s29+$0x10];
	v16 =	vmax.f32 v16, v24  }
0xf4: {  	v20 =	vmax.f32 v20, v33;
	v27 =	vld [tilespmem:s29+$0x20]  }
0xf5: {  	v28 =	vld [tilespmem:s29+$0xFFFFFFC0];
	v19 =	vmax.f32 v19, v34;
	s29 =	sadd.s32 $0x80, s29  }
0xf6: {  	s30 =	sadd.s32 $0xFFFFFFFF, s30;
	v24 =	vld [tilespmem:s29+$0x30];
	v17 =	vmax.f32 v17, v35  }
.LBB2_36:
0xf7: {  	v33 =	vld [tilespmem:s29+$0xFFFFFFD0]  }
0xf8: {  	v34 =	vld [tilespmem:s29+$0xFFFFFFE0]  }
0xf9: {  	v35 =	vld [tilespmem:s29+$0xFFFFFFF0]  }
0xfa: {  	v36 =	vld [tilespmem:s29+$0x0]  }
0xfb: {  	v37 =	vld [tilespmem:s29+$0x10]  }
0xfc: {  	v38 =	vld [tilespmem:s29+$0x20]  }
0xfd: {  	v25 =	vmax.f32 @p0 v29, v25;
	v63 =	vld [tilespmem:s29+$0xFFFFFFC0]  }
0xfe: {  	v26 =	vmax.f32 @p0 v30, v26;
	v22 =	vpsel p0, v25, v22;
	v27 =	vmax.f32 @p0 v31, v27  }
0xff: {  	v21 =	vpsel p0, v26, v21;
	v28 =	vmax.f32 @p0 v32, v28;
	v18 =	vpsel p0, v27, v18  }
0x100: {  	v16 =	vmax.f32 v16, v24;
	v23 =	vpsel p0, v28, v23;
	v20 =	vmax.f32 v20, v33  }
0x101: {  	v19 =	vmax.f32 v19, v34;
	v17 =	vmax.f32 v17, v35;
	v22 =	vmax.f32 v22, v36  }
0x102: {  	v21 =	vmax.f32 v21, v37;
	v18 =	vmax.f32 v18, v38;
	v23 =	vmax.f32 v23, v63  }
.LBB2_22:
0x103: {  	s30 =	ssub.s32 s17, s26  }
0x104: {  	p0 =	sgt.s32 s30, $0x0  }
0x105: {  	s30 =	simm.s32 @!p0 $0x0  }
0x106: {  	s28 =	simm.s32 @!p1 $0x0;
	s29 =	smin.u32 s30, $0x100  }
0x107: {  	p0 =	slt.u32 s28, s29  }
.Ltmp19:
0x108: {  	_ = 	snop;
	(pc) =	sbr.rel @!p0 .LBB2_26-.Ltmp19, $1  }
0x109: {  	_ =	sdelay $0x3  }
0x10a: {  	p0 =	sgt.s32 s22, $0x0;
	s1 =	smov.u32 s22  }
0x10b: {  	s1 =	simm.s32 @!p0 $0x0  }
0x10c: {  	s1 =	smin.u32 s1, $0x100  }
0x10d: {  	s1 =	sshll.u32 s1, $0x7  }
0x10e: {  	s1 =	sadd.s32 $0x80C0, s1  }
0x10f: {  	s28 =	smin.u32 s28, $0x100;
	v28 =	vld [tilespmem:s1+$0x30]  }
0x110: {  	s28 =	sadd.s32 $0x1, s28;
	v29 =	vld [tilespmem:s1+$0xFFFFFFD0]  }
0x111: {  	p0 =	slt.u32 s28, s29;
	v30 =	vld [tilespmem:s1+$0xFFFFFFE0]  }
.Ltmp20:
0x112: {  	v25 =	vld [tilespmem:s1+$0xFFFFFFF0];
	(pc) =	sbr.rel @!p0 .LBB2_25-.Ltmp20, $4  }
0x113: {  	v24 =	vld [tilespmem:s1+$0x0]  }
0x114: {  	v26 =	vld [tilespmem:s1+$0x10]  }
0x115: {  	v27 =	vld [tilespmem:s1+$0x20]  }
0x116: {  	v8 =	vmax.f32 v8, v28;
	v14 =	vmax.f32 v14, v29;
	v28 =	vld [tilespmem:s1+$0xFFFFFFC0];
	v13 =	vmax.f32 v13, v30;
	s1 =	sadd.s32 $0x80, s1  }
.LBB2_24:
0x117: {  	v29 =	vld [tilespmem:s1+$0x30];
	s28 =	sadd.s32 $0x1, s28;
	v12 =	vmax.f32 v12, v25  }
0x118: {  	v30 =	vld [tilespmem:s1+$0xFFFFFFD0];
	p0 =	slt.u32 s28, s29;
	v11 =	vmax.f32 v11, v24  }
0x119: {  	v31 =	vld [tilespmem:s1+$0xFFFFFFE0];
	v10 =	vmax.f32 v10, v26  }
.Ltmp21:
0x11a: {  	v25 =	vld [tilespmem:s1+$0xFFFFFFF0];
	v9 =	vmax.f32 v9, v27;
	(pc) =	sbr.rel @p0 .LBB2_24-.Ltmp21, $4  }
0x11b: {  	v24 =	vld [tilespmem:s1+$0x0];
	v15 =	vmax.f32 v15, v28  }
0x11c: {  	v26 =	vld [tilespmem:s1+$0x10];
	v8 =	vmax.f32 v8, v29  }
0x11d: {  	v14 =	vmax.f32 v14, v30;
	v27 =	vld [tilespmem:s1+$0x20]  }
0x11e: {  	v28 =	vld [tilespmem:s1+$0xFFFFFFC0];
	v13 =	vmax.f32 v13, v31;
	s1 =	sadd.s32 $0x80, s1  }
.LBB2_25:
0x11f: {  	_ =	sdelay $0x2  }
0x120: {  	v12 =	vmax.f32 v12, v25;
	v11 =	vmax.f32 v11, v24  }
0x121: {  	v10 =	vmax.f32 v10, v26;
	v9 =	vmax.f32 v9, v27;
	v15 =	vmax.f32 v15, v28  }
.LBB2_26:
0x122: {  	s1 =	ssub.s32 s18, s26  }
0x123: {  	p0 =	sgt.s32 s1, $0x0  }
0x124: {  	s1 =	simm.s32 @!p0 $0x0  }
0x125: {  	s26 =	smin.u32 s1, $0x100  }
0x126: {  	p0 =	slt.u32 s30, s26  }
.Ltmp22:
0x127: {  	_ = 	snop;
	(pc) =	sbr.rel @!p0 .LBB2_30-.Ltmp22, $1  }
0x128: {  	_ =	sdelay $0x3  }
0x129: {  	p0 =	sgt.s32 s24, $0x0;
	s1 =	smov.u32 s24  }
0x12a: {  	s1 =	simm.s32 @!p0 $0x0  }
0x12b: {  	s1 =	smin.u32 s1, $0x100  }
0x12c: {  	s1 =	sshll.u32 s1, $0x7  }
0x12d: {  	s1 =	sadd.s32 $0x80C0, s1  }
0x12e: {  	v28 =	vld [tilespmem:s1+$0x30]  }
0x12f: {  	v29 =	vld [tilespmem:s1+$0xFFFFFFD0]  }
0x130: {  	v30 =	vld [tilespmem:s1+$0xFFFFFFE0]  }
0x131: {  	v25 =	vld [tilespmem:s1+$0xFFFFFFF0]  }
0x132: {  	s28 =	sadd.s32 $0x1, s29;
	v24 =	vld [tilespmem:s1+$0x0]  }
0x133: {  	p0 =	slt.u32 s28, s26;
	v26 =	vld [tilespmem:s1+$0x10]  }
.Ltmp23:
0x134: {  	v27 =	vld [tilespmem:s1+$0x20];
	(pc) =	sbr.rel @!p0 .LBB2_29-.Ltmp23, $2  }
0x135: {  	v0 =	vmax.f32 v0, v28;
	v28 =	vld [tilespmem:s1+$0xFFFFFFC0];
	_ =	sdelay $0x2  }
0x136: {  	v6 =	vmax.f32 v6, v29;
	v5 =	vmax.f32 v5, v30;
	s1 =	sadd.s32 $0x80, s1  }
.LBB2_28:
0x137: {  	v29 =	vld [tilespmem:s1+$0x30];
	s28 =	sadd.s32 $0x1, s28;
	v4 =	vmax.f32 v4, v25  }
0x138: {  	v3 =	vmax.f32 v3, v24;
	v30 =	vld [tilespmem:s1+$0xFFFFFFD0];
	p0 =	slt.u32 s28, s26  }
0x139: {  	v2 =	vmax.f32 v2, v26;
	v31 =	vld [tilespmem:s1+$0xFFFFFFE0]  }
.Ltmp24:
0x13a: {  	v1 =	vmax.f32 v1, v27;
	v25 =	vld [tilespmem:s1+$0xFFFFFFF0];
	(pc) =	sbr.rel @p0 .LBB2_28-.Ltmp24, $4  }
0x13b: {  	v7 =	vmax.f32 v7, v28;
	v24 =	vld [tilespmem:s1+$0x0]  }
0x13c: {  	v26 =	vld [tilespmem:s1+$0x10];
	v0 =	vmax.f32 v0, v29  }
0x13d: {  	v6 =	vmax.f32 v6, v30;
	v27 =	vld [tilespmem:s1+$0x20]  }
0x13e: {  	v28 =	vld [tilespmem:s1+$0xFFFFFFC0];
	v5 =	vmax.f32 v5, v31;
	s1 =	sadd.s32 $0x80, s1  }
.Ltmp25:
0x13f: {  	_ = 	snop;
	(pc) =	sbr.rel .LBB2_29-.Ltmp25, $1  }
0x140: {  	_ =	sdelay $0x3  }
.LBB2_6:
.Ltmp26:
0x141: {  	(pc) =	sbr.rel .LBB2_21-.Ltmp26, $2  }
0x142: {  	_ =	sdelay $0x2  }
0x143: {  	v29 =	vmovc v22;
	v30 =	vmov v21;
	v31 =	vmov v18;
	v32 =	vmov v23  }
.LBB2_17:
.Ltmp27:
0x144: {  	(pc) =	sbr.rel .LBB2_36-.Ltmp27, $2  }
0x145: {  	_ =	sdelay $0x2  }
0x146: {  	v29 =	vmovc v22;
	v30 =	vmov v21;
	v31 =	vmov v18;
	v32 =	vmov v23  }
.LBB2_19:
.Ltmp28:
0x147: {  	(pc) =	sbr.rel .LBB2_21-.Ltmp28, $2  }
0x148: {  	_ =	sdelay $0x2  }
0x149: {  	v29 =	vmovc v22;
	v30 =	vmov v21;
	v31 =	vmov v18;
	v32 =	vmov v23  }
.LBB2_34:
.Ltmp29:
0x14a: {  	(pc) =	sbr.rel .LBB2_36-.Ltmp29, $2  }
0x14b: {  	_ =	sdelay $0x2  }
0x14c: {  	v29 =	vmovc v22;
	v30 =	vmov v21;
	v31 =	vmov v18;
	v32 =	vmov v23  }
.LBB2_32:
0x14d: {  	_ =	sfence.sel $0x180000  }
0x14e: {  	[bflag:$0x0] =	sbarrier.arrive $0xFFFF  }
0x14f: {  	_ =	strace $0x90000047  }
0x150: {  	[bflag:$0x2] =	sbarrier.arrive $0xFFFF  }
0x151: {  	p0 =	sne.s32 s0, $0x0;
	s0 =	rddreg [dreg:$0x3]  }
0x152: {  	s0 =	sadd.s32 @!p0 $0x100000, s0  }
0x153: {  	[sflag:s0] =	ssyncadd.tile.s32 @!p0 $0x1;
	_ =	shalt  }
.Lfunc_end2:
_tile_overlayer_lowered:
.L_overlay_start_2:
0x154: {  	(tag) =	ssettag $0x2  }
0x155: {  	s0 =	rddreg [dreg:$0x0];
	s2 =	stileid.u32  }
0x156: {  	s1 =	rddreg [dreg:$0x1];
	p0 =	sne.s32 s2, $0x0  }
0x157: {  	s3 =	rddreg [dreg:$0x2];
	[bflag:$0x3] =	sbarrier.arrive $0xFFFF;
	s2 =	simm.s32 @!p0 $0x1C03  }
0x158: {  	[timem:s3], [sflag:s2] =	dma.local @!p0 [hbm:s0], s1  }
0x159: {  	s0 =	simm.s32 @!p0 $0x3  }
0x15a: {  	_ =	swait.ge @!p0 [sflag:s0], s1  }
0x15b: {  	s1 =	ssub.s32 @!p0 $0x0, s1;
	[sflag:s0] =	ssyncset.done @!p0 $0x0  }
0x15c: {  	[sflag:s0] =	ssyncadd.s32 @!p0 s1  }
0x15d: {  	[bflag:$0x3] =	sbarrier.arrive $0xFFFF  }
0x15e: {  	_ =	shalt  }

</sc_bundles>
